<compile_context>
chip_gen: v7x
topology: tpu7x:2x2x1
jax: 0.10.2.dev20260603
libtpu: 0.0.44.dev20260713+nightly
codegen_flags: <defaults>
</compile_context>

<pallas_src>
import jax
import jax.numpy as jnp
from jax import lax
from jax.experimental import pallas as pl
from jax.experimental.pallas import tpu as pltpu
from jax.experimental.pallas import tpu_sc as plsc

N = 64
HH = 512
ROWW = 1536
G = 32
NP = G * G
NUM_MASKED = 768
NC, NS = 2, 16
NW = NC * NS


def _sc_mask_body(idx_hbm, mask_hbm, idx_v, mask_v):
    wid = lax.axis_index("s") * NC + lax.axis_index("c")
    zeros16 = jnp.zeros((16,), jnp.int32)
    ones16 = jnp.ones((16,), jnp.int32)

    for s in range(2):
        b = 2 * wid + s
        pltpu.sync_copy(
            idx_hbm.at[pl.ds(8 * (b // 8), 8),
                       pl.ds(NUM_MASKED, NP - NUM_MASKED)],
            idx_v)
        rb = b % 8
        for r in range(G):
            mask_v[r, pl.ds(0, 16)] = zeros16
            mask_v[r, pl.ds(16, 16)] = zeros16
        for j in range(16):
            iv = idx_v[rb, pl.ds(j * 16, 16)]
            plsc.store_scatter(mask_v, [iv >> 5, iv & (G - 1)], ones16)
        pltpu.sync_copy(mask_v, mask_hbm.at[b])


def _tc_select_body(mask_ref, x_ref, tok_ref, rrows_ref, rcols_ref, out_ref):
    u = mask_ref[0].astype(jnp.bfloat16)
    mrows = jax.lax.dot_general(
        rrows_ref[...], u, (((1,), (0,)), ((), ())),
        preferred_element_type=jnp.float32)
    m = jax.lax.dot_general(
        mrows.astype(jnp.bfloat16), rcols_ref[...], (((1,), (0,)), ((), ())),
        preferred_element_type=jnp.float32)
    out_ref[0] = jnp.where(m > 0.5, x_ref[0], tok_ref[...])


def kernel(x, masked_token, shuffle_indices):
    idx2 = shuffle_indices.astype(jnp.int32)

    sc_mesh = plsc.VectorSubcoreMesh(core_axis_name="c", subcore_axis_name="s",
                                     num_cores=NC, num_subcores=NS)
    sc_mask = pl.kernel(
        _sc_mask_body,
        out_type=jax.ShapeDtypeStruct((N, G, G), jnp.int32),
        mesh=sc_mesh,
        compiler_params=pltpu.CompilerParams(needs_layout_passes=False),
        scratch_types=[
            pltpu.VMEM((8, NP - NUM_MASKED), jnp.int32),
            pltpu.VMEM((G, G), jnp.int32),
        ],
    )
    mask = sc_mask(idx2)

    tok_full = jnp.tile(masked_token.reshape(16, 48), (G, G))
    rrows = (jnp.arange(HH, dtype=jnp.int32)[:, None] // 16
             == jnp.arange(G, dtype=jnp.int32)[None, :]).astype(jnp.bfloat16)
    rcols = (jnp.arange(ROWW, dtype=jnp.int32)[None, :] // 48
             == jnp.arange(G, dtype=jnp.int32)[:, None]).astype(jnp.bfloat16)

    x3 = x.reshape(N, HH, ROWW)
    out3 = pl.pallas_call(
        _tc_select_body,
        grid=(N,),
        in_specs=[
            pl.BlockSpec((1, G, G), lambda b: (b, 0, 0)),
            pl.BlockSpec((1, HH, ROWW), lambda b: (b, 0, 0)),
            pl.BlockSpec((HH, ROWW), lambda b: (0, 0)),
            pl.BlockSpec((HH, G), lambda b: (0, 0)),
            pl.BlockSpec((G, ROWW), lambda b: (0, 0)),
        ],
        out_specs=pl.BlockSpec((1, HH, ROWW), lambda b: (b, 0, 0)),
        out_shape=jax.ShapeDtypeStruct((N, HH, ROWW), jnp.float32),
    )(mask, x3, tok_full, rrows, rcols)
    return out3.reshape(N, HH, HH, 3)

# --- scband reference (transcript-rebuilt; emitter-appended) ---
"""Pipeline reference for scband-mae-53395033423983 (READ-ONLY COPY).

The authoritative reference and input builder live on the scoring server;
editing this copy changes nothing except your own understanding.
"""

import jax, jax.numpy as jnp
import numpy as np

P = 16
PED = 32
DIM = 768
RATIO = 0.75

def setup_inputs(seed: int = 0):
    key = jax.random.key(seed)
    k1, k2, k3 = jax.random.split(key, 3)
    N, H, W, C = 64, 512, 512, 3
    x = jax.random.normal(k1, (N, H, W, C), dtype=jnp.float32)
    masked_token = jax.random.normal(k2, (1, 1, DIM), dtype=jnp.float32)
    num_patches = PED * PED
    shuffle_indices = jnp.argsort(jax.random.uniform(k3, (N, num_patches)), axis=-1).astype(jnp.int64)
    return {"x": x, "masked_token": masked_token, "shuffle_indices": shuffle_indices}

def reference(x, masked_token, shuffle_indices):
    N, H, W, C = x.shape
    num_patches = PED * PED
    num_masked = int(RATIO * num_patches)
    # mask(): permute NHWC -> NCHW, patchify
    xc = jnp.transpose(x, (0, 3, 1, 2))
    patches = xc.reshape(N, C, H // P, P, W // P, P).transpose(0, 2, 4, 3, 5, 1)
    shape6 = patches.shape
    patches = patches.reshape(N, num_patches, -1)
    unmask_ind = shuffle_indices[:, num_masked:]
    batch_ind = jnp.arange(N)[:, None]
    # gather unmasked patches (gather); masked patches overwritten by learned token
    unmask_patches = patches[batch_ind, unmask_ind]
    mask_patches = jnp.broadcast_to(masked_token, (N, num_masked, patches.shape[-1]))
    concates = jnp.concatenate([mask_patches, unmask_patches], axis=1)
    # scatter-overwrite back to original patch positions
    scattered = jnp.zeros_like(concates).at[batch_ind, shuffle_indices].set(concates)
    out = scattered.reshape(shape6).transpose(0, 5, 1, 3, 2, 4).reshape(xc.shape)
    # encoder.forward and decoder.forward are identity modules
    return jnp.transpose(out, (0, 2, 3, 1))

if __name__ == "__main__":
    import jax
    _d = setup_inputs()
    print(jax.jit(kernel)(*tuple(_d.values())))

</pallas_src>

<mosaic_0001>
#map = affine_map<(d0, d1) -> (0, 0)>
#map1 = affine_map<(d0, d1) -> (0, 0, 0)>
module attributes {stable_mosaic.version = 14 : i64} {
  func.func @_sc_mask_body(%arg0: i32, %arg1: i32, %arg2: memref<64x1024xi32, #tpu.memory_space<hbm>>, %arg3: memref<64x32x32xi32, #tpu.memory_space<hbm>>, %arg4: memref<8x256xi32, #tpu.memory_space<vmem>>, %arg5: memref<32x32xi32, #tpu.memory_space<vmem>>) attributes {dimension_semantics = [#tpu.dimension_semantics<core_parallel>, #tpu.dimension_semantics<subcore_parallel>], iteration_bounds = array<i64: 2, 16>, scalar_prefetch = 0 : i64, scratch_operands = 2 : i64, tpu.core_type = #tpu.core_type<sc_vector_subcore>, window_params = [{transform_indices = #map}, {transform_indices = #map1}]} {
    %mul3A = arith.constant 2 : i32
    %mul3A_0 = arith.muli %arg1, %mul3A : i32
    %add3A = arith.addi %mul3A_0, %arg0 : i32
    %broadcast_in_dim3A = arith.constant 0 : i32
    %broadcast_in_dim3A_1 = vector.broadcast %broadcast_in_dim3A : i32 to vector<16xi32>
    %broadcast_in_dim3A_2 = arith.constant 1 : i32
    %broadcast_in_dim3A_3 = vector.broadcast %broadcast_in_dim3A_2 : i32 to vector<16xi32>
    %mul3A_4 = arith.constant 2 : i32
    %mul3A_5 = arith.muli %mul3A_4, %add3A : i32
    %add3A_6 = arith.constant 0 : i32
    %add3A_7 = arith.addi %mul3A_5, %add3A_6 : i32
    %jit3A = arith.constant 8 : i32
    %div3A = arith.divsi %add3A_7, %jit3A : i32
    %sign3A = arith.constant 0 : i32
    %sign3A_8 = arith.cmpi sgt, %add3A_7, %sign3A : i32
    %sign3A_9 = arith.extui %sign3A_8 : i1 to i32
    %sign3A_10 = arith.constant 0 : i32
    %sign3A_11 = arith.cmpi slt, %add3A_7, %sign3A_10 : i32
    %sign3A_12 = arith.extui %sign3A_11 : i1 to i32
    %sign3A_13 = arith.subi %sign3A_9, %sign3A_12 : i32
    %sign3A_14 = arith.constant 0 : i32
    %sign3A_15 = arith.cmpi sgt, %jit3A, %sign3A_14 : i32
    %sign3A_16 = arith.extui %sign3A_15 : i1 to i32
    %sign3A_17 = arith.constant 0 : i32
    %sign3A_18 = arith.cmpi slt, %jit3A, %sign3A_17 : i32
    %sign3A_19 = arith.extui %sign3A_18 : i1 to i32
    %sign3A_20 = arith.subi %sign3A_16, %sign3A_19 : i32
    %ne3A = arith.cmpi ne, %sign3A_13, %sign3A_20 : i32
    %rem3A = arith.remsi %add3A_7, %jit3A : i32
    %ne3A_21 = arith.constant 0 : i32
    %ne3A_22 = arith.cmpi ne, %rem3A, %ne3A_21 : i32
    %and3A = arith.andi %ne3A, %ne3A_22 : i1
    %sub3A = arith.constant 1 : i32
    %sub3A_23 = arith.subi %div3A, %sub3A : i32
    %select_n3A = arith.select %and3A, %sub3A_23, %div3A : i32
    %mul3A_24 = arith.constant 8 : i32
    %mul3A_25 = arith.muli %mul3A_24, %select_n3A : i32
    "tpu.region"() ({
      %run_scoped3A = tpu.sem_alloc : memref<!tpu.dma_semaphore, #tpu.memory_space<semaphore_mem>>
      %dma_start3A = arith.constant 768 : i32
      %dma_start3A_883 = tpu.memref_slice %arg2[%mul3A_25, %dma_start3A] : memref<64x1024xi32, #tpu.memory_space<hbm>> -> memref<8x256xi32, #tpu.memory_space<hbm>>
      %dma_start3A_884 = arith.constant 768 : i32
      %dma_start3A_885 = tpu.memref_slice %arg2[%mul3A_25, %dma_start3A_884] : memref<64x1024xi32, #tpu.memory_space<hbm>> -> memref<8x256xi32, #tpu.memory_space<hbm>>
      tpu.enqueue_dma source(%dma_start3A_885 : memref<8x256xi32, #tpu.memory_space<hbm>>) target(%arg4 : memref<8x256xi32, #tpu.memory_space<vmem>>) target_semaphore(%run_scoped3A : memref<!tpu.dma_semaphore, #tpu.memory_space<semaphore_mem>>)
      %dma_wait3A = arith.constant 768 : i32
      %dma_wait3A_886 = tpu.memref_slice %arg2[%mul3A_25, %dma_wait3A] : memref<64x1024xi32, #tpu.memory_space<hbm>> -> memref<8x256xi32, #tpu.memory_space<hbm>>
      %dma_wait3A_887 = arith.constant 768 : i32
      %dma_wait3A_888 = tpu.memref_slice %arg2[%mul3A_25, %dma_wait3A_887] : memref<64x1024xi32, #tpu.memory_space<hbm>> -> memref<8x256xi32, #tpu.memory_space<hbm>>
      tpu.wait_dma2 semaphore(%run_scoped3A : memref<!tpu.dma_semaphore, #tpu.memory_space<semaphore_mem>>) src(%dma_wait3A_888 : memref<8x256xi32, #tpu.memory_space<hbm>>) dst(%arg4 : memref<8x256xi32, #tpu.memory_space<vmem>>)
      tpu.yield
    }) : () -> ()
    %jit3A_26 = arith.constant 8 : i32
    %eq3A = arith.constant 0 : i32
    %eq3A_27 = arith.cmpi eq, %jit3A_26, %eq3A : i32
    %jit3A_28 = arith.constant 1 : i32
    %select_n3A_29 = arith.select %eq3A_27, %jit3A_28, %jit3A_26 : i32
    %rem3A_30 = arith.remsi %add3A_7, %select_n3A_29 : i32
    %ne3A_31 = arith.constant 0 : i32
    %ne3A_32 = arith.cmpi ne, %rem3A_30, %ne3A_31 : i32
    %lt3A = arith.constant 0 : i32
    %lt3A_33 = arith.cmpi slt, %rem3A_30, %lt3A : i32
    %lt3A_34 = arith.constant 0 : i32
    %lt3A_35 = arith.cmpi slt, %select_n3A_29, %lt3A_34 : i32
    %ne3A_36 = arith.xori %lt3A_33, %lt3A_35 : i1
    %and3A_37 = arith.andi %ne3A_36, %ne3A_32 : i1
    %add3A_38 = arith.addi %rem3A_30, %select_n3A_29 : i32
    %select_n3A_39 = arith.select %and3A_37, %add3A_38, %rem3A_30 : i32
    %swap3A = arith.constant 0 : i32
    %swap3A_40 = arith.index_cast %swap3A : i32 to index
    %swap3A_41 = arith.constant 0 : index
    %swap3A_42 = tpu.vector_load %arg5[%swap3A_40, %swap3A_41] {strides = array<i32>} : memref<32x32xi32, #tpu.memory_space<vmem>>, vector<16xi32>,
    tpu.vector_store %arg5[%swap3A_40, %swap3A_41], %broadcast_in_dim3A_1 {strides = array<i32>} : memref<32x32xi32, #tpu.memory_space<vmem>>, vector<16xi32>,
    %swap3A_43 = arith.constant 0 : i32
    %swap3A_44 = arith.index_cast %swap3A_43 : i32 to index
    %swap3A_45 = arith.constant 16 : index
    %swap3A_46 = tpu.vector_load %arg5[%swap3A_44, %swap3A_45] {strides = array<i32>} : memref<32x32xi32, #tpu.memory_space<vmem>>, vector<16xi32>,
    tpu.vector_store %arg5[%swap3A_44, %swap3A_45], %broadcast_in_dim3A_1 {strides = array<i32>} : memref<32x32xi32, #tpu.memory_space<vmem>>, vector<16xi32>,
    %swap3A_47 = arith.constant 1 : i32
    %swap3A_48 = arith.index_cast %swap3A_47 : i32 to index
    %swap3A_49 = arith.constant 0 : index
    %swap3A_50 = tpu.vector_load %arg5[%swap3A_48, %swap3A_49] {strides = array<i32>} : memref<32x32xi32, #tpu.memory_space<vmem>>, vector<16xi32>,
    tpu.vector_store %arg5[%swap3A_48, %swap3A_49], %broadcast_in_dim3A_1 {strides = array<i32>} : memref<32x32xi32, #tpu.memory_space<vmem>>, vector<16xi32>,
    %swap3A_51 = arith.constant 1 : i32
    %swap3A_52 = arith.index_cast %swap3A_51 : i32 to index
    %swap3A_53 = arith.constant 16 : index
    %swap3A_54 = tpu.vector_load %arg5[%swap3A_52, %swap3A_53] {strides = array<i32>} : memref<32x32xi32, #tpu.memory_space<vmem>>, vector<16xi32>,
    tpu.vector_store %arg5[%swap3A_52, %swap3A_53], %broadcast_in_dim3A_1 {strides = array<i32>} : memref<32x32xi32, #tpu.memory_space<vmem>>, vector<16xi32>,
    %swap3A_55 = arith.constant 2 : i32
    %swap3A_56 = arith.index_cast %swap3A_55 : i32 to index
    %swap3A_57 = arith.constant 0 : index
    %swap3A_58 = tpu.vector_load %arg5[%swap3A_56, %swap3A_57] {strides = array<i32>} : memref<32x32xi32, #tpu.memory_space<vmem>>, vector<16xi32>,
    tpu.vector_store %arg5[%swap3A_56, %swap3A_57], %broadcast_in_dim3A_1 {strides = array<i32>} : memref<32x32xi32, #tpu.memory_space<vmem>>, vector<16xi32>,
    %swap3A_59 = arith.constant 2 : i32
    %swap3A_60 = arith.index_cast %swap3A_59 : i32 to index
    %swap3A_61 = arith.constant 16 : index
    %swap3A_62 = tpu.vector_load %arg5[%swap3A_60, %swap3A_61] {strides = array<i32>} : memref<32x32xi32, #tpu.memory_space<vmem>>, vector<16xi32>,
    tpu.vector_store %arg5[%swap3A_60, %swap3A_61], %broadcast_in_dim3A_1 {strides = array<i32>} : memref<32x32xi32, #tpu.memory_space<vmem>>, vector<16xi32>,
    %swap3A_63 = arith.constant 3 : i32
    %swap3A_64 = arith.index_cast %swap3A_63 : i32 to index
    %swap3A_65 = arith.constant 0 : index
    %swap3A_66 = tpu.vector_load %arg5[%swap3A_64, %swap3A_65] {strides = array<i32>} : memref<32x32xi32, #tpu.memory_space<vmem>>, vector<16xi32>,
    tpu.vector_store %arg5[%swap3A_64, %swap3A_65], %broadcast_in_dim3A_1 {strides = array<i32>} : memref<32x32xi32, #tpu.memory_space<vmem>>, vector<16xi32>,
    %swap3A_67 = arith.constant 3 : i32
    %swap3A_68 = arith.index_cast %swap3A_67 : i32 to index
    %swap3A_69 = arith.constant 16 : index
    %swap3A_70 = tpu.vector_load %arg5[%swap3A_68, %swap3A_69] {strides = array<i32>} : memref<32x32xi32, #tpu.memory_space<vmem>>, vector<16xi32>,
    tpu.vector_store %arg5[%swap3A_68, %swap3A_69], %broadcast_in_dim3A_1 {strides = array<i32>} : memref<32x32xi32, #tpu.memory_space<vmem>>, vector<16xi32>,
    %swap3A_71 = arith.constant 4 : i32
    %swap3A_72 = arith.index_cast %swap3A_71 : i32 to index
    %swap3A_73 = arith.constant 0 : index
    %swap3A_74 = tpu.vector_load %arg5[%swap3A_72, %swap3A_73] {strides = array<i32>} : memref<32x32xi32, #tpu.memory_space<vmem>>, vector<16xi32>,
    tpu.vector_store %arg5[%swap3A_72, %swap3A_73], %broadcast_in_dim3A_1 {strides = array<i32>} : memref<32x32xi32, #tpu.memory_space<vmem>>, vector<16xi32>,
    %swap3A_75 = arith.constant 4 : i32
    %swap3A_76 = arith.index_cast %swap3A_75 : i32 to index
    %swap3A_77 = arith.constant 16 : index
    %swap3A_78 = tpu.vector_load %arg5[%swap3A_76, %swap3A_77] {strides = array<i32>} : memref<32x32xi32, #tpu.memory_space<vmem>>, vector<16xi32>,
    tpu.vector_store %arg5[%swap3A_76, %swap3A_77], %broadcast_in_dim3A_1 {strides = array<i32>} : memref<32x32xi32, #tpu.memory_space<vmem>>, vector<16xi32>,
    %swap3A_79 = arith.constant 5 : i32
    %swap3A_80 = arith.index_cast %swap3A_79 : i32 to index
    %swap3A_81 = arith.constant 0 : index
    %swap3A_82 = tpu.vector_load %arg5[%swap3A_80, %swap3A_81] {strides = array<i32>} : memref<32x32xi32, #tpu.memory_space<vmem>>, vector<16xi32>,
    tpu.vector_store %arg5[%swap3A_80, %swap3A_81], %broadcast_in_dim3A_1 {strides = array<i32>} : memref<32x32xi32, #tpu.memory_space<vmem>>, vector<16xi32>,
    %swap3A_83 = arith.constant 5 : i32
    %swap3A_84 = arith.index_cast %swap3A_83 : i32 to index
    %swap3A_85 = arith.constant 16 : index
    %swap3A_86 = tpu.vector_load %arg5[%swap3A_84, %swap3A_85] {strides = array<i32>} : memref<32x32xi32, #tpu.memory_space<vmem>>, vector<16xi32>,
    tpu.vector_store %arg5[%swap3A_84, %swap3A_85], %broadcast_in_dim3A_1 {strides = array<i32>} : memref<32x32xi32, #tpu.memory_space<vmem>>, vector<16xi32>,
    %swap3A_87 = arith.constant 6 : i32
    %swap3A_88 = arith.index_cast %swap3A_87 : i32 to index
    %swap3A_89 = arith.constant 0 : index
    %swap3A_90 = tpu.vector_load %arg5[%swap3A_88, %swap3A_89] {strides = array<i32>} : memref<32x32xi32, #tpu.memory_space<vmem>>, vector<16xi32>,
    tpu.vector_store %arg5[%swap3A_88, %swap3A_89], %broadcast_in_dim3A_1 {strides = array<i32>} : memref<32x32xi32, #tpu.memory_space<vmem>>, vector<16xi32>,
    %swap3A_91 = arith.constant 6 : i32
    %swap3A_92 = arith.index_cast %swap3A_91 : i32 to index
    %swap3A_93 = arith.constant 16 : index
    %swap3A_94 = tpu.vector_load %arg5[%swap3A_92, %swap3A_93] {strides = array<i32>} : memref<32x32xi32, #tpu.memory_space<vmem>>, vector<16xi32>,
    tpu.vector_store %arg5[%swap3A_92, %swap3A_93], %broadcast_in_dim3A_1 {strides = array<i32>} : memref<32x32xi32, #tpu.memory_space<vmem>>, vector<16xi32>,
    %swap3A_95 = arith.constant 7 : i32
    %swap3A_96 = arith.index_cast %swap3A_95 : i32 to index
    %swap3A_97 = arith.constant 0 : index
    %swap3A_98 = tpu.vector_load %arg5[%swap3A_96, %swap3A_97] {strides = array<i32>} : memref<32x32xi32, #tpu.memory_space<vmem>>, vector<16xi32>,
    tpu.vector_store %arg5[%swap3A_96, %swap3A_97], %broadcast_in_dim3A_1 {strides = array<i32>} : memref<32x32xi32, #tpu.memory_space<vmem>>, vector<16xi32>,
    %swap3A_99 = arith.constant 7 : i32
    %swap3A_100 = arith.index_cast %swap3A_99 : i32 to index
    %swap3A_101 = arith.constant 16 : index
    %swap3A_102 = tpu.vector_load %arg5[%swap3A_100, %swap3A_101] {strides = array<i32>} : memref<32x32xi32, #tpu.memory_space<vmem>>, vector<16xi32>,
    tpu.vector_store %arg5[%swap3A_100, %swap3A_101], %broadcast_in_dim3A_1 {strides = array<i32>} : memref<32x32xi32, #tpu.memory_space<vmem>>, vector<16xi32>,
    %swap3A_103 = arith.constant 8 : i32
    %swap3A_104 = arith.index_cast %swap3A_103 : i32 to index
    %swap3A_105 = arith.constant 0 : index
    %swap3A_106 = tpu.vector_load %arg5[%swap3A_104, %swap3A_105] {strides = array<i32>} : memref<32x32xi32, #tpu.memory_space<vmem>>, vector<16xi32>,
    tpu.vector_store %arg5[%swap3A_104, %swap3A_105], %broadcast_in_dim3A_1 {strides = array<i32>} : memref<32x32xi32, #tpu.memory_space<vmem>>, vector<16xi32>,
    %swap3A_107 = arith.constant 8 : i32
    %swap3A_108 = arith.index_cast %swap3A_107 : i32 to index
    %swap3A_109 = arith.constant 16 : index
    %swap3A_110 = tpu.vector_load %arg5[%swap3A_108, %swap3A_109] {strides = array<i32>} : memref<32x32xi32, #tpu.memory_space<vmem>>, vector<16xi32>,
    tpu.vector_store %arg5[%swap3A_108, %swap3A_109], %broadcast_in_dim3A_1 {strides = array<i32>} : memref<32x32xi32, #tpu.memory_space<vmem>>, vector<16xi32>,
    %swap3A_111 = arith.constant 9 : i32
    %swap3A_112 = arith.index_cast %swap3A_111 : i32 to index
    %swap3A_113 = arith.constant 0 : index
    %swap3A_114 = tpu.vector_load %arg5[%swap3A_112, %swap3A_113] {strides = array<i32>} : memref<32x32xi32, #tpu.memory_space<vmem>>, vector<16xi32>,
    tpu.vector_store %arg5[%swap3A_112, %swap3A_113], %broadcast_in_dim3A_1 {strides = array<i32>} : memref<32x32xi32, #tpu.memory_space<vmem>>, vector<16xi32>,
    %swap3A_115 = arith.constant 9 : i32
    %swap3A_116 = arith.index_cast %swap3A_115 : i32 to index
    %swap3A_117 = arith.constant 16 : index
    %swap3A_118 = tpu.vector_load %arg5[%swap3A_116, %swap3A_117] {strides = array<i32>} : memref<32x32xi32, #tpu.memory_space<vmem>>, vector<16xi32>,
    tpu.vector_store %arg5[%swap3A_116, %swap3A_117], %broadcast_in_dim3A_1 {strides = array<i32>} : memref<32x32xi32, #tpu.memory_space<vmem>>, vector<16xi32>,
    %swap3A_119 = arith.constant 10 : i32
    %swap3A_120 = arith.index_cast %swap3A_119 : i32 to index
    %swap3A_121 = arith.constant 0 : index
    %swap3A_122 = tpu.vector_load %arg5[%swap3A_120, %swap3A_121] {strides = array<i32>} : memref<32x32xi32, #tpu.memory_space<vmem>>, vector<16xi32>,
    tpu.vector_store %arg5[%swap3A_120, %swap3A_121], %broadcast_in_dim3A_1 {strides = array<i32>} : memref<32x32xi32, #tpu.memory_space<vmem>>, vector<16xi32>,
    %swap3A_123 = arith.constant 10 : i32
    %swap3A_124 = arith.index_cast %swap3A_123 : i32 to index
    %swap3A_125 = arith.constant 16 : index
    %swap3A_126 = tpu.vector_load %arg5[%swap3A_124, %swap3A_125] {strides = array<i32>} : memref<32x32xi32, #tpu.memory_space<vmem>>, vector<16xi32>,
    tpu.vector_store %arg5[%swap3A_124, %swap3A_125], %broadcast_in_dim3A_1 {strides = array<i32>} : memref<32x32xi32, #tpu.memory_space<vmem>>, vector<16xi32>,
    %swap3A_127 = arith.constant 11 : i32
    %swap3A_128 = arith.index_cast %swap3A_127 : i32 to index
    %swap3A_129 = arith.constant 0 : index
    %swap3A_130 = tpu.vector_load %arg5[%swap3A_128, %swap3A_129] {strides = array<i32>} : memref<32x32xi32, #tpu.memory_space<vmem>>, vector<16xi32>,
    tpu.vector_store %arg5[%swap3A_128, %swap3A_129], %broadcast_in_dim3A_1 {strides = array<i32>} : memref<32x32xi32, #tpu.memory_space<vmem>>, vector<16xi32>,
    %swap3A_131 = arith.constant 11 : i32
    %swap3A_132 = arith.index_cast %swap3A_131 : i32 to index
    %swap3A_133 = arith.constant 16 : index
    %swap3A_134 = tpu.vector_load %arg5[%swap3A_132, %swap3A_133] {strides = array<i32>} : memref<32x32xi32, #tpu.memory_space<vmem>>, vector<16xi32>,
    tpu.vector_store %arg5[%swap3A_132, %swap3A_133], %broadcast_in_dim3A_1 {strides = array<i32>} : memref<32x32xi32, #tpu.memory_space<vmem>>, vector<16xi32>,
    %swap3A_135 = arith.constant 12 : i32
    %swap3A_136 = arith.index_cast %swap3A_135 : i32 to index
    %swap3A_137 = arith.constant 0 : index
    %swap3A_138 = tpu.vector_load %arg5[%swap3A_136, %swap3A_137] {strides = array<i32>} : memref<32x32xi32, #tpu.memory_space<vmem>>, vector<16xi32>,
    tpu.vector_store %arg5[%swap3A_136, %swap3A_137], %broadcast_in_dim3A_1 {strides = array<i32>} : memref<32x32xi32, #tpu.memory_space<vmem>>, vector<16xi32>,
    %swap3A_139 = arith.constant 12 : i32
    %swap3A_140 = arith.index_cast %swap3A_139 : i32 to index
    %swap3A_141 = arith.constant 16 : index
    %swap3A_142 = tpu.vector_load %arg5[%swap3A_140, %swap3A_141] {strides = array<i32>} : memref<32x32xi32, #tpu.memory_space<vmem>>, vector<16xi32>,
    tpu.vector_store %arg5[%swap3A_140, %swap3A_141], %broadcast_in_dim3A_1 {strides = array<i32>} : memref<32x32xi32, #tpu.memory_space<vmem>>, vector<16xi32>,
    %swap3A_143 = arith.constant 13 : i32
    %swap3A_144 = arith.index_cast %swap3A_143 : i32 to index
    %swap3A_145 = arith.constant 0 : index
    %swap3A_146 = tpu.vector_load %arg5[%swap3A_144, %swap3A_145] {strides = array<i32>} : memref<32x32xi32, #tpu.memory_space<vmem>>, vector<16xi32>,
    tpu.vector_store %arg5[%swap3A_144, %swap3A_145], %broadcast_in_dim3A_1 {strides = array<i32>} : memref<32x32xi32, #tpu.memory_space<vmem>>, vector<16xi32>,
    %swap3A_147 = arith.constant 13 : i32
    %swap3A_148 = arith.index_cast %swap3A_147 : i32 to index
    %swap3A_149 = arith.constant 16 : index
    %swap3A_150 = tpu.vector_load %arg5[%swap3A_148, %swap3A_149] {strides = array<i32>} : memref<32x32xi32, #tpu.memory_space<vmem>>, vector<16xi32>,
    tpu.vector_store %arg5[%swap3A_148, %swap3A_149], %broadcast_in_dim3A_1 {strides = array<i32>} : memref<32x32xi32, #tpu.memory_space<vmem>>, vector<16xi32>,
    %swap3A_151 = arith.constant 14 : i32
    %swap3A_152 = arith.index_cast %swap3A_151 : i32 to index
    %swap3A_153 = arith.constant 0 : index
    %swap3A_154 = tpu.vector_load %arg5[%swap3A_152, %swap3A_153] {strides = array<i32>} : memref<32x32xi32, #tpu.memory_space<vmem>>, vector<16xi32>,
    tpu.vector_store %arg5[%swap3A_152, %swap3A_153], %broadcast_in_dim3A_1 {strides = array<i32>} : memref<32x32xi32, #tpu.memory_space<vmem>>, vector<16xi32>,
    %swap3A_155 = arith.constant 14 : i32
    %swap3A_156 = arith.index_cast %swap3A_155 : i32 to index
    %swap3A_157 = arith.constant 16 : index
    %swap3A_158 = tpu.vector_load %arg5[%swap3A_156, %swap3A_157] {strides = array<i32>} : memref<32x32xi32, #tpu.memory_space<vmem>>, vector<16xi32>,
    tpu.vector_store %arg5[%swap3A_156, %swap3A_157], %broadcast_in_dim3A_1 {strides = array<i32>} : memref<32x32xi32, #tpu.memory_space<vmem>>, vector<16xi32>,
    %swap3A_159 = arith.constant 15 : i32
    %swap3A_160 = arith.index_cast %swap3A_159 : i32 to index
    %swap3A_161 = arith.constant 0 : index
    %swap3A_162 = tpu.vector_load %arg5[%swap3A_160, %swap3A_161] {strides = array<i32>} : memref<32x32xi32, #tpu.memory_space<vmem>>, vector<16xi32>,
    tpu.vector_store %arg5[%swap3A_160, %swap3A_161], %broadcast_in_dim3A_1 {strides = array<i32>} : memref<32x32xi32, #tpu.memory_space<vmem>>, vector<16xi32>,
    %swap3A_163 = arith.constant 15 : i32
    %swap3A_164 = arith.index_cast %swap3A_163 : i32 to index
    %swap3A_165 = arith.constant 16 : index
    %swap3A_166 = tpu.vector_load %arg5[%swap3A_164, %swap3A_165] {strides = array<i32>} : memref<32x32xi32, #tpu.memory_space<vmem>>, vector<16xi32>,
    tpu.vector_store %arg5[%swap3A_164, %swap3A_165], %broadcast_in_dim3A_1 {strides = array<i32>} : memref<32x32xi32, #tpu.memory_space<vmem>>, vector<16xi32>,
    %swap3A_167 = arith.constant 16 : i32
    %swap3A_168 = arith.index_cast %swap3A_167 : i32 to index
    %swap3A_169 = arith.constant 0 : index
    %swap3A_170 = tpu.vector_load %arg5[%swap3A_168, %swap3A_169] {strides = array<i32>} : memref<32x32xi32, #tpu.memory_space<vmem>>, vector<16xi32>,
    tpu.vector_store %arg5[%swap3A_168, %swap3A_169], %broadcast_in_dim3A_1 {strides = array<i32>} : memref<32x32xi32, #tpu.memory_space<vmem>>, vector<16xi32>,
    %swap3A_171 = arith.constant 16 : i32
    %swap3A_172 = arith.index_cast %swap3A_171 : i32 to index
    %swap3A_173 = arith.constant 16 : index
    %swap3A_174 = tpu.vector_load %arg5[%swap3A_172, %swap3A_173] {strides = array<i32>} : memref<32x32xi32, #tpu.memory_space<vmem>>, vector<16xi32>,
    tpu.vector_store %arg5[%swap3A_172, %swap3A_173], %broadcast_in_dim3A_1 {strides = array<i32>} : memref<32x32xi32, #tpu.memory_space<vmem>>, vector<16xi32>,
    %swap3A_175 = arith.constant 17 : i32
    %swap3A_176 = arith.index_cast %swap3A_175 : i32 to index
    %swap3A_177 = arith.constant 0 : index
    %swap3A_178 = tpu.vector_load %arg5[%swap3A_176, %swap3A_177] {strides = array<i32>} : memref<32x32xi32, #tpu.memory_space<vmem>>, vector<16xi32>,
    tpu.vector_store %arg5[%swap3A_176, %swap3A_177], %broadcast_in_dim3A_1 {strides = array<i32>} : memref<32x32xi32, #tpu.memory_space<vmem>>, vector<16xi32>,
    %swap3A_179 = arith.constant 17 : i32
    %swap3A_180 = arith.index_cast %swap3A_179 : i32 to index
    %swap3A_181 = arith.constant 16 : index
    %swap3A_182 = tpu.vector_load %arg5[%swap3A_180, %swap3A_181] {strides = array<i32>} : memref<32x32xi32, #tpu.memory_space<vmem>>, vector<16xi32>,
    tpu.vector_store %arg5[%swap3A_180, %swap3A_181], %broadcast_in_dim3A_1 {strides = array<i32>} : memref<32x32xi32, #tpu.memory_space<vmem>>, vector<16xi32>,
    %swap3A_183 = arith.constant 18 : i32
    %swap3A_184 = arith.index_cast %swap3A_183 : i32 to index
    %swap3A_185 = arith.constant 0 : index
    %swap3A_186 = tpu.vector_load %arg5[%swap3A_184, %swap3A_185] {strides = array<i32>} : memref<32x32xi32, #tpu.memory_space<vmem>>, vector<16xi32>,
    tpu.vector_store %arg5[%swap3A_184, %swap3A_185], %broadcast_in_dim3A_1 {strides = array<i32>} : memref<32x32xi32, #tpu.memory_space<vmem>>, vector<16xi32>,
    %swap3A_187 = arith.constant 18 : i32
    %swap3A_188 = arith.index_cast %swap3A_187 : i32 to index
    %swap3A_189 = arith.constant 16 : index
    %swap3A_190 = tpu.vector_load %arg5[%swap3A_188, %swap3A_189] {strides = array<i32>} : memref<32x32xi32, #tpu.memory_space<vmem>>, vector<16xi32>,
    tpu.vector_store %arg5[%swap3A_188, %swap3A_189], %broadcast_in_dim3A_1 {strides = array<i32>} : memref<32x32xi32, #tpu.memory_space<vmem>>, vector<16xi32>,
    %swap3A_191 = arith.constant 19 : i32
    %swap3A_192 = arith.index_cast %swap3A_191 : i32 to index
    %swap3A_193 = arith.constant 0 : index
    %swap3A_194 = tpu.vector_load %arg5[%swap3A_192, %swap3A_193] {strides = array<i32>} : memref<32x32xi32, #tpu.memory_space<vmem>>, vector<16xi32>,
    tpu.vector_store %arg5[%swap3A_192, %swap3A_193], %broadcast_in_dim3A_1 {strides = array<i32>} : memref<32x32xi32, #tpu.memory_space<vmem>>, vector<16xi32>,
    %swap3A_195 = arith.constant 19 : i32
    %swap3A_196 = arith.index_cast %swap3A_195 : i32 to index
    %swap3A_197 = arith.constant 16 : index
    %swap3A_198 = tpu.vector_load %arg5[%swap3A_196, %swap3A_197] {strides = array<i32>} : memref<32x32xi32, #tpu.memory_space<vmem>>, vector<16xi32>,
    tpu.vector_store %arg5[%swap3A_196, %swap3A_197], %broadcast_in_dim3A_1 {strides = array<i32>} : memref<32x32xi32, #tpu.memory_space<vmem>>, vector<16xi32>,
    %swap3A_199 = arith.constant 20 : i32
    %swap3A_200 = arith.index_cast %swap3A_199 : i32 to index
    %swap3A_201 = arith.constant 0 : index
    %swap3A_202 = tpu.vector_load %arg5[%swap3A_200, %swap3A_201] {strides = array<i32>} : memref<32x32xi32, #tpu.memory_space<vmem>>, vector<16xi32>,
    tpu.vector_store %arg5[%swap3A_200, %swap3A_201], %broadcast_in_dim3A_1 {strides = array<i32>} : memref<32x32xi32, #tpu.memory_space<vmem>>, vector<16xi32>,
    %swap3A_203 = arith.constant 20 : i32
    %swap3A_204 = arith.index_cast %swap3A_203 : i32 to index
    %swap3A_205 = arith.constant 16 : index
    %swap3A_206 = tpu.vector_load %arg5[%swap3A_204, %swap3A_205] {strides = array<i32>} : memref<32x32xi32, #tpu.memory_space<vmem>>, vector<16xi32>,
    tpu.vector_store %arg5[%swap3A_204, %swap3A_205], %broadcast_in_dim3A_1 {strides = array<i32>} : memref<32x32xi32, #tpu.memory_space<vmem>>, vector<16xi32>,
    %swap3A_207 = arith.constant 21 : i32
    %swap3A_208 = arith.index_cast %swap3A_207 : i32 to index
    %swap3A_209 = arith.constant 0 : index
    %swap3A_210 = tpu.vector_load %arg5[%swap3A_208, %swap3A_209] {strides = array<i32>} : memref<32x32xi32, #tpu.memory_space<vmem>>, vector<16xi32>,
    tpu.vector_store %arg5[%swap3A_208, %swap3A_209], %broadcast_in_dim3A_1 {strides = array<i32>} : memref<32x32xi32, #tpu.memory_space<vmem>>, vector<16xi32>,
    %swap3A_211 = arith.constant 21 : i32
    %swap3A_212 = arith.index_cast %swap3A_211 : i32 to index
    %swap3A_213 = arith.constant 16 : index
    %swap3A_214 = tpu.vector_load %arg5[%swap3A_212, %swap3A_213] {strides = array<i32>} : memref<32x32xi32, #tpu.memory_space<vmem>>, vector<16xi32>,
    tpu.vector_store %arg5[%swap3A_212, %swap3A_213], %broadcast_in_dim3A_1 {strides = array<i32>} : memref<32x32xi32, #tpu.memory_space<vmem>>, vector<16xi32>,
    %swap3A_215 = arith.constant 22 : i32
    %swap3A_216 = arith.index_cast %swap3A_215 : i32 to index
    %swap3A_217 = arith.constant 0 : index
    %swap3A_218 = tpu.vector_load %arg5[%swap3A_216, %swap3A_217] {strides = array<i32>} : memref<32x32xi32, #tpu.memory_space<vmem>>, vector<16xi32>,
    tpu.vector_store %arg5[%swap3A_216, %swap3A_217], %broadcast_in_dim3A_1 {strides = array<i32>} : memref<32x32xi32, #tpu.memory_space<vmem>>, vector<16xi32>,
    %swap3A_219 = arith.constant 22 : i32
    %swap3A_220 = arith.index_cast %swap3A_219 : i32 to index
    %swap3A_221 = arith.constant 16 : index
    %swap3A_222 = tpu.vector_load %arg5[%swap3A_220, %swap3A_221] {strides = array<i32>} : memref<32x32xi32, #tpu.memory_space<vmem>>, vector<16xi32>,
    tpu.vector_store %arg5[%swap3A_220, %swap3A_221], %broadcast_in_dim3A_1 {strides = array<i32>} : memref<32x32xi32, #tpu.memory_space<vmem>>, vector<16xi32>,
    %swap3A_223 = arith.constant 23 : i32
    %swap3A_224 = arith.index_cast %swap3A_223 : i32 to index
    %swap3A_225 = arith.constant 0 : index
    %swap3A_226 = tpu.vector_load %arg5[%swap3A_224, %swap3A_225] {strides = array<i32>} : memref<32x32xi32, #tpu.memory_space<vmem>>, vector<16xi32>,
    tpu.vector_store %arg5[%swap3A_224, %swap3A_225], %broadcast_in_dim3A_1 {strides = array<i32>} : memref<32x32xi32, #tpu.memory_space<vmem>>, vector<16xi32>,
    %swap3A_227 = arith.constant 23 : i32
    %swap3A_228 = arith.index_cast %swap3A_227 : i32 to index
    %swap3A_229 = arith.constant 16 : index
    %swap3A_230 = tpu.vector_load %arg5[%swap3A_228, %swap3A_229] {strides = array<i32>} : memref<32x32xi32, #tpu.memory_space<vmem>>, vector<16xi32>,
    tpu.vector_store %arg5[%swap3A_228, %swap3A_229], %broadcast_in_dim3A_1 {strides = array<i32>} : memref<32x32xi32, #tpu.memory_space<vmem>>, vector<16xi32>,
    %swap3A_231 = arith.constant 24 : i32
    %swap3A_232 = arith.index_cast %swap3A_231 : i32 to index
    %swap3A_233 = arith.constant 0 : index
    %swap3A_234 = tpu.vector_load %arg5[%swap3A_232, %swap3A_233] {strides = array<i32>} : memref<32x32xi32, #tpu.memory_space<vmem>>, vector<16xi32>,
    tpu.vector_store %arg5[%swap3A_232, %swap3A_233], %broadcast_in_dim3A_1 {strides = array<i32>} : memref<32x32xi32, #tpu.memory_space<vmem>>, vector<16xi32>,
    %swap3A_235 = arith.constant 24 : i32
    %swap3A_236 = arith.index_cast %swap3A_235 : i32 to index
    %swap3A_237 = arith.constant 16 : index
    %swap3A_238 = tpu.vector_load %arg5[%swap3A_236, %swap3A_237] {strides = array<i32>} : memref<32x32xi32, #tpu.memory_space<vmem>>, vector<16xi32>,
    tpu.vector_store %arg5[%swap3A_236, %swap3A_237], %broadcast_in_dim3A_1 {strides = array<i32>} : memref<32x32xi32, #tpu.memory_space<vmem>>, vector<16xi32>,
    %swap3A_239 = arith.constant 25 : i32
    %swap3A_240 = arith.index_cast %swap3A_239 : i32 to index
    %swap3A_241 = arith.constant 0 : index
    %swap3A_242 = tpu.vector_load %arg5[%swap3A_240, %swap3A_241] {strides = array<i32>} : memref<32x32xi32, #tpu.memory_space<vmem>>, vector<16xi32>,
    tpu.vector_store %arg5[%swap3A_240, %swap3A_241], %broadcast_in_dim3A_1 {strides = array<i32>} : memref<32x32xi32, #tpu.memory_space<vmem>>, vector<16xi32>,
    %swap3A_243 = arith.constant 25 : i32
    %swap3A_244 = arith.index_cast %swap3A_243 : i32 to index
    %swap3A_245 = arith.constant 16 : index
    %swap3A_246 = tpu.vector_load %arg5[%swap3A_244, %swap3A_245] {strides = array<i32>} : memref<32x32xi32, #tpu.memory_space<vmem>>, vector<16xi32>,
    tpu.vector_store %arg5[%swap3A_244, %swap3A_245], %broadcast_in_dim3A_1 {strides = array<i32>} : memref<32x32xi32, #tpu.memory_space<vmem>>, vector<16xi32>,
    %swap3A_247 = arith.constant 26 : i32
    %swap3A_248 = arith.index_cast %swap3A_247 : i32 to index
    %swap3A_249 = arith.constant 0 : index
    %swap3A_250 = tpu.vector_load %arg5[%swap3A_248, %swap3A_249] {strides = array<i32>} : memref<32x32xi32, #tpu.memory_space<vmem>>, vector<16xi32>,
    tpu.vector_store %arg5[%swap3A_248, %swap3A_249], %broadcast_in_dim3A_1 {strides = array<i32>} : memref<32x32xi32, #tpu.memory_space<vmem>>, vector<16xi32>,
    %swap3A_251 = arith.constant 26 : i32
    %swap3A_252 = arith.index_cast %swap3A_251 : i32 to index
    %swap3A_253 = arith.constant 16 : index
    %swap3A_254 = tpu.vector_load %arg5[%swap3A_252, %swap3A_253] {strides = array<i32>} : memref<32x32xi32, #tpu.memory_space<vmem>>, vector<16xi32>,
    tpu.vector_store %arg5[%swap3A_252, %swap3A_253], %broadcast_in_dim3A_1 {strides = array<i32>} : memref<32x32xi32, #tpu.memory_space<vmem>>, vector<16xi32>,
    %swap3A_255 = arith.constant 27 : i32
    %swap3A_256 = arith.index_cast %swap3A_255 : i32 to index
    %swap3A_257 = arith.constant 0 : index
    %swap3A_258 = tpu.vector_load %arg5[%swap3A_256, %swap3A_257] {strides = array<i32>} : memref<32x32xi32, #tpu.memory_space<vmem>>, vector<16xi32>,
    tpu.vector_store %arg5[%swap3A_256, %swap3A_257], %broadcast_in_dim3A_1 {strides = array<i32>} : memref<32x32xi32, #tpu.memory_space<vmem>>, vector<16xi32>,
    %swap3A_259 = arith.constant 27 : i32
    %swap3A_260 = arith.index_cast %swap3A_259 : i32 to index
    %swap3A_261 = arith.constant 16 : index
    %swap3A_262 = tpu.vector_load %arg5[%swap3A_260, %swap3A_261] {strides = array<i32>} : memref<32x32xi32, #tpu.memory_space<vmem>>, vector<16xi32>,
    tpu.vector_store %arg5[%swap3A_260, %swap3A_261], %broadcast_in_dim3A_1 {strides = array<i32>} : memref<32x32xi32, #tpu.memory_space<vmem>>, vector<16xi32>,
    %swap3A_263 = arith.constant 28 : i32
    %swap3A_264 = arith.index_cast %swap3A_263 : i32 to index
    %swap3A_265 = arith.constant 0 : index
    %swap3A_266 = tpu.vector_load %arg5[%swap3A_264, %swap3A_265] {strides = array<i32>} : memref<32x32xi32, #tpu.memory_space<vmem>>, vector<16xi32>,
    tpu.vector_store %arg5[%swap3A_264, %swap3A_265], %broadcast_in_dim3A_1 {strides = array<i32>} : memref<32x32xi32, #tpu.memory_space<vmem>>, vector<16xi32>,
    %swap3A_267 = arith.constant 28 : i32
    %swap3A_268 = arith.index_cast %swap3A_267 : i32 to index
    %swap3A_269 = arith.constant 16 : index
    %swap3A_270 = tpu.vector_load %arg5[%swap3A_268, %swap3A_269] {strides = array<i32>} : memref<32x32xi32, #tpu.memory_space<vmem>>, vector<16xi32>,
    tpu.vector_store %arg5[%swap3A_268, %swap3A_269], %broadcast_in_dim3A_1 {strides = array<i32>} : memref<32x32xi32, #tpu.memory_space<vmem>>, vector<16xi32>,
    %swap3A_271 = arith.constant 29 : i32
    %swap3A_272 = arith.index_cast %swap3A_271 : i32 to index
    %swap3A_273 = arith.constant 0 : index
    %swap3A_274 = tpu.vector_load %arg5[%swap3A_272, %swap3A_273] {strides = array<i32>} : memref<32x32xi32, #tpu.memory_space<vmem>>, vector<16xi32>,
    tpu.vector_store %arg5[%swap3A_272, %swap3A_273], %broadcast_in_dim3A_1 {strides = array<i32>} : memref<32x32xi32, #tpu.memory_space<vmem>>, vector<16xi32>,
    %swap3A_275 = arith.constant 29 : i32
    %swap3A_276 = arith.index_cast %swap3A_275 : i32 to index
    %swap3A_277 = arith.constant 16 : index
    %swap3A_278 = tpu.vector_load %arg5[%swap3A_276, %swap3A_277] {strides = array<i32>} : memref<32x32xi32, #tpu.memory_space<vmem>>, vector<16xi32>,
    tpu.vector_store %arg5[%swap3A_276, %swap3A_277], %broadcast_in_dim3A_1 {strides = array<i32>} : memref<32x32xi32, #tpu.memory_space<vmem>>, vector<16xi32>,
    %swap3A_279 = arith.constant 30 : i32
    %swap3A_280 = arith.index_cast %swap3A_279 : i32 to index
    %swap3A_281 = arith.constant 0 : index
    %swap3A_282 = tpu.vector_load %arg5[%swap3A_280, %swap3A_281] {strides = array<i32>} : memref<32x32xi32, #tpu.memory_space<vmem>>, vector<16xi32>,
    tpu.vector_store %arg5[%swap3A_280, %swap3A_281], %broadcast_in_dim3A_1 {strides = array<i32>} : memref<32x32xi32, #tpu.memory_space<vmem>>, vector<16xi32>,
    %swap3A_283 = arith.constant 30 : i32
    %swap3A_284 = arith.index_cast %swap3A_283 : i32 to index
    %swap3A_285 = arith.constant 16 : index
    %swap3A_286 = tpu.vector_load %arg5[%swap3A_284, %swap3A_285] {strides = array<i32>} : memref<32x32xi32, #tpu.memory_space<vmem>>, vector<16xi32>,
    tpu.vector_store %arg5[%swap3A_284, %swap3A_285], %broadcast_in_dim3A_1 {strides = array<i32>} : memref<32x32xi32, #tpu.memory_space<vmem>>, vector<16xi32>,
    %swap3A_287 = arith.constant 31 : i32
    %swap3A_288 = arith.index_cast %swap3A_287 : i32 to index
    %swap3A_289 = arith.constant 0 : index
    %swap3A_290 = tpu.vector_load %arg5[%swap3A_288, %swap3A_289] {strides = array<i32>} : memref<32x32xi32, #tpu.memory_space<vmem>>, vector<16xi32>,
    tpu.vector_store %arg5[%swap3A_288, %swap3A_289], %broadcast_in_dim3A_1 {strides = array<i32>} : memref<32x32xi32, #tpu.memory_space<vmem>>, vector<16xi32>,
    %swap3A_291 = arith.constant 31 : i32
    %swap3A_292 = arith.index_cast %swap3A_291 : i32 to index
    %swap3A_293 = arith.constant 16 : index
    %swap3A_294 = tpu.vector_load %arg5[%swap3A_292, %swap3A_293] {strides = array<i32>} : memref<32x32xi32, #tpu.memory_space<vmem>>, vector<16xi32>,
    tpu.vector_store %arg5[%swap3A_292, %swap3A_293], %broadcast_in_dim3A_1 {strides = array<i32>} : memref<32x32xi32, #tpu.memory_space<vmem>>, vector<16xi32>,
    %get3A = arith.index_cast %select_n3A_39 : i32 to index
    %get3A_295 = arith.constant 0 : index
    %get3A_296 = tpu.vector_load %arg4[%get3A, %get3A_295] {strides = array<i32>} : memref<8x256xi32, #tpu.memory_space<vmem>>, vector<16xi32>,
    %shift_right_arithmetic3A = arith.constant 5 : i32
    %shift_right_arithmetic3A_297 = vector.broadcast %shift_right_arithmetic3A : i32 to vector<16xi32>
    %shift_right_arithmetic3A_298 = arith.shrsi %get3A_296, %shift_right_arithmetic3A_297 : vector<16xi32>
    %and3A_299 = arith.constant 31 : i32
    %and3A_300 = vector.broadcast %and3A_299 : i32 to vector<16xi32>
    %and3A_301 = arith.andi %get3A_296, %and3A_300 : vector<16xi32>
    tpu.vector_store_idx %arg5[%shift_right_arithmetic3A_298, %and3A_301], %broadcast_in_dim3A_3 : memref<32x32xi32, #tpu.memory_space<vmem>>[vector<16xi32>, vector<16xi32>], vector<16xi32>,
    %get3A_302 = arith.index_cast %select_n3A_39 : i32 to index
    %get3A_303 = arith.constant 16 : index
    %get3A_304 = tpu.vector_load %arg4[%get3A_302, %get3A_303] {strides = array<i32>} : memref<8x256xi32, #tpu.memory_space<vmem>>, vector<16xi32>,
    %shift_right_arithmetic3A_305 = arith.constant 5 : i32
    %shift_right_arithmetic3A_306 = vector.broadcast %shift_right_arithmetic3A_305 : i32 to vector<16xi32>
    %shift_right_arithmetic3A_307 = arith.shrsi %get3A_304, %shift_right_arithmetic3A_306 : vector<16xi32>
    %and3A_308 = arith.constant 31 : i32
    %and3A_309 = vector.broadcast %and3A_308 : i32 to vector<16xi32>
    %and3A_310 = arith.andi %get3A_304, %and3A_309 : vector<16xi32>
    tpu.vector_store_idx %arg5[%shift_right_arithmetic3A_307, %and3A_310], %broadcast_in_dim3A_3 : memref<32x32xi32, #tpu.memory_space<vmem>>[vector<16xi32>, vector<16xi32>], vector<16xi32>,
    %get3A_311 = arith.index_cast %select_n3A_39 : i32 to index
    %get3A_312 = arith.constant 32 : index
    %get3A_313 = tpu.vector_load %arg4[%get3A_311, %get3A_312] {strides = array<i32>} : memref<8x256xi32, #tpu.memory_space<vmem>>, vector<16xi32>,
    %shift_right_arithmetic3A_314 = arith.constant 5 : i32
    %shift_right_arithmetic3A_315 = vector.broadcast %shift_right_arithmetic3A_314 : i32 to vector<16xi32>
    %shift_right_arithmetic3A_316 = arith.shrsi %get3A_313, %shift_right_arithmetic3A_315 : vector<16xi32>
    %and3A_317 = arith.constant 31 : i32
    %and3A_318 = vector.broadcast %and3A_317 : i32 to vector<16xi32>
    %and3A_319 = arith.andi %get3A_313, %and3A_318 : vector<16xi32>
    tpu.vector_store_idx %arg5[%shift_right_arithmetic3A_316, %and3A_319], %broadcast_in_dim3A_3 : memref<32x32xi32, #tpu.memory_space<vmem>>[vector<16xi32>, vector<16xi32>], vector<16xi32>,
    %get3A_320 = arith.index_cast %select_n3A_39 : i32 to index
    %get3A_321 = arith.constant 48 : index
    %get3A_322 = tpu.vector_load %arg4[%get3A_320, %get3A_321] {strides = array<i32>} : memref<8x256xi32, #tpu.memory_space<vmem>>, vector<16xi32>,
    %shift_right_arithmetic3A_323 = arith.constant 5 : i32
    %shift_right_arithmetic3A_324 = vector.broadcast %shift_right_arithmetic3A_323 : i32 to vector<16xi32>
    %shift_right_arithmetic3A_325 = arith.shrsi %get3A_322, %shift_right_arithmetic3A_324 : vector<16xi32>
    %and3A_326 = arith.constant 31 : i32
    %and3A_327 = vector.broadcast %and3A_326 : i32 to vector<16xi32>
    %and3A_328 = arith.andi %get3A_322, %and3A_327 : vector<16xi32>
    tpu.vector_store_idx %arg5[%shift_right_arithmetic3A_325, %and3A_328], %broadcast_in_dim3A_3 : memref<32x32xi32, #tpu.memory_space<vmem>>[vector<16xi32>, vector<16xi32>], vector<16xi32>,
    %get3A_329 = arith.index_cast %select_n3A_39 : i32 to index
    %get3A_330 = arith.constant 64 : index
    %get3A_331 = tpu.vector_load %arg4[%get3A_329, %get3A_330] {strides = array<i32>} : memref<8x256xi32, #tpu.memory_space<vmem>>, vector<16xi32>,
    %shift_right_arithmetic3A_332 = arith.constant 5 : i32
    %shift_right_arithmetic3A_333 = vector.broadcast %shift_right_arithmetic3A_332 : i32 to vector<16xi32>
    %shift_right_arithmetic3A_334 = arith.shrsi %get3A_331, %shift_right_arithmetic3A_333 : vector<16xi32>
    %and3A_335 = arith.constant 31 : i32
    %and3A_336 = vector.broadcast %and3A_335 : i32 to vector<16xi32>
    %and3A_337 = arith.andi %get3A_331, %and3A_336 : vector<16xi32>
    tpu.vector_store_idx %arg5[%shift_right_arithmetic3A_334, %and3A_337], %broadcast_in_dim3A_3 : memref<32x32xi32, #tpu.memory_space<vmem>>[vector<16xi32>, vector<16xi32>], vector<16xi32>,
    %get3A_338 = arith.index_cast %select_n3A_39 : i32 to index
    %get3A_339 = arith.constant 80 : index
    %get3A_340 = tpu.vector_load %arg4[%get3A_338, %get3A_339] {strides = array<i32>} : memref<8x256xi32, #tpu.memory_space<vmem>>, vector<16xi32>,
    %shift_right_arithmetic3A_341 = arith.constant 5 : i32
    %shift_right_arithmetic3A_342 = vector.broadcast %shift_right_arithmetic3A_341 : i32 to vector<16xi32>
    %shift_right_arithmetic3A_343 = arith.shrsi %get3A_340, %shift_right_arithmetic3A_342 : vector<16xi32>
    %and3A_344 = arith.constant 31 : i32
    %and3A_345 = vector.broadcast %and3A_344 : i32 to vector<16xi32>
    %and3A_346 = arith.andi %get3A_340, %and3A_345 : vector<16xi32>
    tpu.vector_store_idx %arg5[%shift_right_arithmetic3A_343, %and3A_346], %broadcast_in_dim3A_3 : memref<32x32xi32, #tpu.memory_space<vmem>>[vector<16xi32>, vector<16xi32>], vector<16xi32>,
    %get3A_347 = arith.index_cast %select_n3A_39 : i32 to index
    %get3A_348 = arith.constant 96 : index
    %get3A_349 = tpu.vector_load %arg4[%get3A_347, %get3A_348] {strides = array<i32>} : memref<8x256xi32, #tpu.memory_space<vmem>>, vector<16xi32>,
    %shift_right_arithmetic3A_350 = arith.constant 5 : i32
    %shift_right_arithmetic3A_351 = vector.broadcast %shift_right_arithmetic3A_350 : i32 to vector<16xi32>
    %shift_right_arithmetic3A_352 = arith.shrsi %get3A_349, %shift_right_arithmetic3A_351 : vector<16xi32>
    %and3A_353 = arith.constant 31 : i32
    %and3A_354 = vector.broadcast %and3A_353 : i32 to vector<16xi32>
    %and3A_355 = arith.andi %get3A_349, %and3A_354 : vector<16xi32>
    tpu.vector_store_idx %arg5[%shift_right_arithmetic3A_352, %and3A_355], %broadcast_in_dim3A_3 : memref<32x32xi32, #tpu.memory_space<vmem>>[vector<16xi32>, vector<16xi32>], vector<16xi32>,
    %get3A_356 = arith.index_cast %select_n3A_39 : i32 to index
    %get3A_357 = arith.constant 112 : index
    %get3A_358 = tpu.vector_load %arg4[%get3A_356, %get3A_357] {strides = array<i32>} : memref<8x256xi32, #tpu.memory_space<vmem>>, vector<16xi32>,
    %shift_right_arithmetic3A_359 = arith.constant 5 : i32
    %shift_right_arithmetic3A_360 = vector.broadcast %shift_right_arithmetic3A_359 : i32 to vector<16xi32>
    %shift_right_arithmetic3A_361 = arith.shrsi %get3A_358, %shift_right_arithmetic3A_360 : vector<16xi32>
    %and3A_362 = arith.constant 31 : i32
    %and3A_363 = vector.broadcast %and3A_362 : i32 to vector<16xi32>
    %and3A_364 = arith.andi %get3A_358, %and3A_363 : vector<16xi32>
    tpu.vector_store_idx %arg5[%shift_right_arithmetic3A_361, %and3A_364], %broadcast_in_dim3A_3 : memref<32x32xi32, #tpu.memory_space<vmem>>[vector<16xi32>, vector<16xi32>], vector<16xi32>,
    %get3A_365 = arith.index_cast %select_n3A_39 : i32 to index
    %get3A_366 = arith.constant 128 : index
    %get3A_367 = tpu.vector_load %arg4[%get3A_365, %get3A_366] {strides = array<i32>} : memref<8x256xi32, #tpu.memory_space<vmem>>, vector<16xi32>,
    %shift_right_arithmetic3A_368 = arith.constant 5 : i32
    %shift_right_arithmetic3A_369 = vector.broadcast %shift_right_arithmetic3A_368 : i32 to vector<16xi32>
    %shift_right_arithmetic3A_370 = arith.shrsi %get3A_367, %shift_right_arithmetic3A_369 : vector<16xi32>
    %and3A_371 = arith.constant 31 : i32
    %and3A_372 = vector.broadcast %and3A_371 : i32 to vector<16xi32>
    %and3A_373 = arith.andi %get3A_367, %and3A_372 : vector<16xi32>
    tpu.vector_store_idx %arg5[%shift_right_arithmetic3A_370, %and3A_373], %broadcast_in_dim3A_3 : memref<32x32xi32, #tpu.memory_space<vmem>>[vector<16xi32>, vector<16xi32>], vector<16xi32>,
    %get3A_374 = arith.index_cast %select_n3A_39 : i32 to index
    %get3A_375 = arith.constant 144 : index
    %get3A_376 = tpu.vector_load %arg4[%get3A_374, %get3A_375] {strides = array<i32>} : memref<8x256xi32, #tpu.memory_space<vmem>>, vector<16xi32>,
    %shift_right_arithmetic3A_377 = arith.constant 5 : i32
    %shift_right_arithmetic3A_378 = vector.broadcast %shift_right_arithmetic3A_377 : i32 to vector<16xi32>
    %shift_right_arithmetic3A_379 = arith.shrsi %get3A_376, %shift_right_arithmetic3A_378 : vector<16xi32>
    %and3A_380 = arith.constant 31 : i32
    %and3A_381 = vector.broadcast %and3A_380 : i32 to vector<16xi32>
    %and3A_382 = arith.andi %get3A_376, %and3A_381 : vector<16xi32>
    tpu.vector_store_idx %arg5[%shift_right_arithmetic3A_379, %and3A_382], %broadcast_in_dim3A_3 : memref<32x32xi32, #tpu.memory_space<vmem>>[vector<16xi32>, vector<16xi32>], vector<16xi32>,
    %get3A_383 = arith.index_cast %select_n3A_39 : i32 to index
    %get3A_384 = arith.constant 160 : index
    %get3A_385 = tpu.vector_load %arg4[%get3A_383, %get3A_384] {strides = array<i32>} : memref<8x256xi32, #tpu.memory_space<vmem>>, vector<16xi32>,
    %shift_right_arithmetic3A_386 = arith.constant 5 : i32
    %shift_right_arithmetic3A_387 = vector.broadcast %shift_right_arithmetic3A_386 : i32 to vector<16xi32>
    %shift_right_arithmetic3A_388 = arith.shrsi %get3A_385, %shift_right_arithmetic3A_387 : vector<16xi32>
    %and3A_389 = arith.constant 31 : i32
    %and3A_390 = vector.broadcast %and3A_389 : i32 to vector<16xi32>
    %and3A_391 = arith.andi %get3A_385, %and3A_390 : vector<16xi32>
    tpu.vector_store_idx %arg5[%shift_right_arithmetic3A_388, %and3A_391], %broadcast_in_dim3A_3 : memref<32x32xi32, #tpu.memory_space<vmem>>[vector<16xi32>, vector<16xi32>], vector<16xi32>,
    %get3A_392 = arith.index_cast %select_n3A_39 : i32 to index
    %get3A_393 = arith.constant 176 : index
    %get3A_394 = tpu.vector_load %arg4[%get3A_392, %get3A_393] {strides = array<i32>} : memref<8x256xi32, #tpu.memory_space<vmem>>, vector<16xi32>,
    %shift_right_arithmetic3A_395 = arith.constant 5 : i32
    %shift_right_arithmetic3A_396 = vector.broadcast %shift_right_arithmetic3A_395 : i32 to vector<16xi32>
    %shift_right_arithmetic3A_397 = arith.shrsi %get3A_394, %shift_right_arithmetic3A_396 : vector<16xi32>
    %and3A_398 = arith.constant 31 : i32
    %and3A_399 = vector.broadcast %and3A_398 : i32 to vector<16xi32>
    %and3A_400 = arith.andi %get3A_394, %and3A_399 : vector<16xi32>
    tpu.vector_store_idx %arg5[%shift_right_arithmetic3A_397, %and3A_400], %broadcast_in_dim3A_3 : memref<32x32xi32, #tpu.memory_space<vmem>>[vector<16xi32>, vector<16xi32>], vector<16xi32>,
    %get3A_401 = arith.index_cast %select_n3A_39 : i32 to index
    %get3A_402 = arith.constant 192 : index
    %get3A_403 = tpu.vector_load %arg4[%get3A_401, %get3A_402] {strides = array<i32>} : memref<8x256xi32, #tpu.memory_space<vmem>>, vector<16xi32>,
    %shift_right_arithmetic3A_404 = arith.constant 5 : i32
    %shift_right_arithmetic3A_405 = vector.broadcast %shift_right_arithmetic3A_404 : i32 to vector<16xi32>
    %shift_right_arithmetic3A_406 = arith.shrsi %get3A_403, %shift_right_arithmetic3A_405 : vector<16xi32>
    %and3A_407 = arith.constant 31 : i32
    %and3A_408 = vector.broadcast %and3A_407 : i32 to vector<16xi32>
    %and3A_409 = arith.andi %get3A_403, %and3A_408 : vector<16xi32>
    tpu.vector_store_idx %arg5[%shift_right_arithmetic3A_406, %and3A_409], %broadcast_in_dim3A_3 : memref<32x32xi32, #tpu.memory_space<vmem>>[vector<16xi32>, vector<16xi32>], vector<16xi32>,
    %get3A_410 = arith.index_cast %select_n3A_39 : i32 to index
    %get3A_411 = arith.constant 208 : index
    %get3A_412 = tpu.vector_load %arg4[%get3A_410, %get3A_411] {strides = array<i32>} : memref<8x256xi32, #tpu.memory_space<vmem>>, vector<16xi32>,
    %shift_right_arithmetic3A_413 = arith.constant 5 : i32
    %shift_right_arithmetic3A_414 = vector.broadcast %shift_right_arithmetic3A_413 : i32 to vector<16xi32>
    %shift_right_arithmetic3A_415 = arith.shrsi %get3A_412, %shift_right_arithmetic3A_414 : vector<16xi32>
    %and3A_416 = arith.constant 31 : i32
    %and3A_417 = vector.broadcast %and3A_416 : i32 to vector<16xi32>
    %and3A_418 = arith.andi %get3A_412, %and3A_417 : vector<16xi32>
    tpu.vector_store_idx %arg5[%shift_right_arithmetic3A_415, %and3A_418], %broadcast_in_dim3A_3 : memref<32x32xi32, #tpu.memory_space<vmem>>[vector<16xi32>, vector<16xi32>], vector<16xi32>,
    %get3A_419 = arith.index_cast %select_n3A_39 : i32 to index
    %get3A_420 = arith.constant 224 : index
    %get3A_421 = tpu.vector_load %arg4[%get3A_419, %get3A_420] {strides = array<i32>} : memref<8x256xi32, #tpu.memory_space<vmem>>, vector<16xi32>,
    %shift_right_arithmetic3A_422 = arith.constant 5 : i32
    %shift_right_arithmetic3A_423 = vector.broadcast %shift_right_arithmetic3A_422 : i32 to vector<16xi32>
    %shift_right_arithmetic3A_424 = arith.shrsi %get3A_421, %shift_right_arithmetic3A_423 : vector<16xi32>
    %and3A_425 = arith.constant 31 : i32
    %and3A_426 = vector.broadcast %and3A_425 : i32 to vector<16xi32>
    %and3A_427 = arith.andi %get3A_421, %and3A_426 : vector<16xi32>
    tpu.vector_store_idx %arg5[%shift_right_arithmetic3A_424, %and3A_427], %broadcast_in_dim3A_3 : memref<32x32xi32, #tpu.memory_space<vmem>>[vector<16xi32>, vector<16xi32>], vector<16xi32>,
    %get3A_428 = arith.index_cast %select_n3A_39 : i32 to index
    %get3A_429 = arith.constant 240 : index
    %get3A_430 = tpu.vector_load %arg4[%get3A_428, %get3A_429] {strides = array<i32>} : memref<8x256xi32, #tpu.memory_space<vmem>>, vector<16xi32>,
    %shift_right_arithmetic3A_431 = arith.constant 5 : i32
    %shift_right_arithmetic3A_432 = vector.broadcast %shift_right_arithmetic3A_431 : i32 to vector<16xi32>
    %shift_right_arithmetic3A_433 = arith.shrsi %get3A_430, %shift_right_arithmetic3A_432 : vector<16xi32>
    %and3A_434 = arith.constant 31 : i32
    %and3A_435 = vector.broadcast %and3A_434 : i32 to vector<16xi32>
    %and3A_436 = arith.andi %get3A_430, %and3A_435 : vector<16xi32>
    tpu.vector_store_idx %arg5[%shift_right_arithmetic3A_433, %and3A_436], %broadcast_in_dim3A_3 : memref<32x32xi32, #tpu.memory_space<vmem>>[vector<16xi32>, vector<16xi32>], vector<16xi32>,
    "tpu.region"() ({
      %run_scoped3A = tpu.sem_alloc : memref<!tpu.dma_semaphore, #tpu.memory_space<semaphore_mem>>
      %dma_start3A = arith.constant 0 : i32
      %dma_start3A_883 = arith.constant 0 : i32
      %dma_start3A_884 = tpu.memref_slice %arg3[%add3A_7, %dma_start3A, %dma_start3A_883] : memref<64x32x32xi32, #tpu.memory_space<hbm>> -> memref<1x32x32xi32, #tpu.memory_space<hbm>>
      %dma_start3A_885 = tpu.memref_squeeze %dma_start3A_884 : memref<1x32x32xi32, #tpu.memory_space<hbm>> -> memref<32x32xi32, #tpu.memory_space<hbm>>
      %dma_start3A_886 = arith.constant 0 : i32
      %dma_start3A_887 = arith.constant 0 : i32
      %dma_start3A_888 = tpu.memref_slice %arg3[%add3A_7, %dma_start3A_886, %dma_start3A_887] : memref<64x32x32xi32, #tpu.memory_space<hbm>> -> memref<1x32x32xi32, #tpu.memory_space<hbm>>
      %dma_start3A_889 = tpu.memref_squeeze %dma_start3A_888 : memref<1x32x32xi32, #tpu.memory_space<hbm>> -> memref<32x32xi32, #tpu.memory_space<hbm>>
      tpu.enqueue_dma source(%arg5 : memref<32x32xi32, #tpu.memory_space<vmem>>) target(%dma_start3A_889 : memref<32x32xi32, #tpu.memory_space<hbm>>) target_semaphore(%run_scoped3A : memref<!tpu.dma_semaphore, #tpu.memory_space<semaphore_mem>>)
      %dma_wait3A = arith.constant 0 : i32
      %dma_wait3A_890 = arith.constant 0 : i32
      %dma_wait3A_891 = tpu.memref_slice %arg3[%add3A_7, %dma_wait3A, %dma_wait3A_890] : memref<64x32x32xi32, #tpu.memory_space<hbm>> -> memref<1x32x32xi32, #tpu.memory_space<hbm>>
      %dma_wait3A_892 = tpu.memref_squeeze %dma_wait3A_891 : memref<1x32x32xi32, #tpu.memory_space<hbm>> -> memref<32x32xi32, #tpu.memory_space<hbm>>
      %dma_wait3A_893 = arith.constant 0 : i32
      %dma_wait3A_894 = arith.constant 0 : i32
      %dma_wait3A_895 = tpu.memref_slice %arg3[%add3A_7, %dma_wait3A_893, %dma_wait3A_894] : memref<64x32x32xi32, #tpu.memory_space<hbm>> -> memref<1x32x32xi32, #tpu.memory_space<hbm>>
      %dma_wait3A_896 = tpu.memref_squeeze %dma_wait3A_895 : memref<1x32x32xi32, #tpu.memory_space<hbm>> -> memref<32x32xi32, #tpu.memory_space<hbm>>
      tpu.wait_dma2 semaphore(%run_scoped3A : memref<!tpu.dma_semaphore, #tpu.memory_space<semaphore_mem>>) src(%arg5 : memref<32x32xi32, #tpu.memory_space<vmem>>) dst(%dma_wait3A_896 : memref<32x32xi32, #tpu.memory_space<hbm>>)
      tpu.yield
    }) : () -> ()
    %mul3A_437 = arith.constant 2 : i32
    %mul3A_438 = arith.muli %mul3A_437, %add3A : i32
    %add3A_439 = arith.constant 1 : i32
    %add3A_440 = arith.addi %mul3A_438, %add3A_439 : i32
    %jit3A_441 = arith.constant 8 : i32
    %div3A_442 = arith.divsi %add3A_440, %jit3A_441 : i32
    %sign3A_443 = arith.constant 0 : i32
    %sign3A_444 = arith.cmpi sgt, %add3A_440, %sign3A_443 : i32
    %sign3A_445 = arith.extui %sign3A_444 : i1 to i32
    %sign3A_446 = arith.constant 0 : i32
    %sign3A_447 = arith.cmpi slt, %add3A_440, %sign3A_446 : i32
    %sign3A_448 = arith.extui %sign3A_447 : i1 to i32
    %sign3A_449 = arith.subi %sign3A_445, %sign3A_448 : i32
    %sign3A_450 = arith.constant 0 : i32
    %sign3A_451 = arith.cmpi sgt, %jit3A_441, %sign3A_450 : i32
    %sign3A_452 = arith.extui %sign3A_451 : i1 to i32
    %sign3A_453 = arith.constant 0 : i32
    %sign3A_454 = arith.cmpi slt, %jit3A_441, %sign3A_453 : i32
    %sign3A_455 = arith.extui %sign3A_454 : i1 to i32
    %sign3A_456 = arith.subi %sign3A_452, %sign3A_455 : i32
    %ne3A_457 = arith.cmpi ne, %sign3A_449, %sign3A_456 : i32
    %rem3A_458 = arith.remsi %add3A_440, %jit3A_441 : i32
    %ne3A_459 = arith.constant 0 : i32
    %ne3A_460 = arith.cmpi ne, %rem3A_458, %ne3A_459 : i32
    %and3A_461 = arith.andi %ne3A_457, %ne3A_460 : i1
    %sub3A_462 = arith.constant 1 : i32
    %sub3A_463 = arith.subi %div3A_442, %sub3A_462 : i32
    %select_n3A_464 = arith.select %and3A_461, %sub3A_463, %div3A_442 : i32
    %mul3A_465 = arith.constant 8 : i32
    %mul3A_466 = arith.muli %mul3A_465, %select_n3A_464 : i32
    "tpu.region"() ({
      %run_scoped3A = tpu.sem_alloc : memref<!tpu.dma_semaphore, #tpu.memory_space<semaphore_mem>>
      %dma_start3A = arith.constant 768 : i32
      %dma_start3A_883 = tpu.memref_slice %arg2[%mul3A_466, %dma_start3A] : memref<64x1024xi32, #tpu.memory_space<hbm>> -> memref<8x256xi32, #tpu.memory_space<hbm>>
      %dma_start3A_884 = arith.constant 768 : i32
      %dma_start3A_885 = tpu.memref_slice %arg2[%mul3A_466, %dma_start3A_884] : memref<64x1024xi32, #tpu.memory_space<hbm>> -> memref<8x256xi32, #tpu.memory_space<hbm>>
      tpu.enqueue_dma source(%dma_start3A_885 : memref<8x256xi32, #tpu.memory_space<hbm>>) target(%arg4 : memref<8x256xi32, #tpu.memory_space<vmem>>) target_semaphore(%run_scoped3A : memref<!tpu.dma_semaphore, #tpu.memory_space<semaphore_mem>>)
      %dma_wait3A = arith.constant 768 : i32
      %dma_wait3A_886 = tpu.memref_slice %arg2[%mul3A_466, %dma_wait3A] : memref<64x1024xi32, #tpu.memory_space<hbm>> -> memref<8x256xi32, #tpu.memory_space<hbm>>
      %dma_wait3A_887 = arith.constant 768 : i32
      %dma_wait3A_888 = tpu.memref_slice %arg2[%mul3A_466, %dma_wait3A_887] : memref<64x1024xi32, #tpu.memory_space<hbm>> -> memref<8x256xi32, #tpu.memory_space<hbm>>
      tpu.wait_dma2 semaphore(%run_scoped3A : memref<!tpu.dma_semaphore, #tpu.memory_space<semaphore_mem>>) src(%dma_wait3A_888 : memref<8x256xi32, #tpu.memory_space<hbm>>) dst(%arg4 : memref<8x256xi32, #tpu.memory_space<vmem>>)
      tpu.yield
    }) : () -> ()
    %jit3A_467 = arith.constant 8 : i32
    %eq3A_468 = arith.constant 0 : i32
    %eq3A_469 = arith.cmpi eq, %jit3A_467, %eq3A_468 : i32
    %jit3A_470 = arith.constant 1 : i32
    %select_n3A_471 = arith.select %eq3A_469, %jit3A_470, %jit3A_467 : i32
    %rem3A_472 = arith.remsi %add3A_440, %select_n3A_471 : i32
    %ne3A_473 = arith.constant 0 : i32
    %ne3A_474 = arith.cmpi ne, %rem3A_472, %ne3A_473 : i32
    %lt3A_475 = arith.constant 0 : i32
    %lt3A_476 = arith.cmpi slt, %rem3A_472, %lt3A_475 : i32
    %lt3A_477 = arith.constant 0 : i32
    %lt3A_478 = arith.cmpi slt, %select_n3A_471, %lt3A_477 : i32
    %ne3A_479 = arith.xori %lt3A_476, %lt3A_478 : i1
    %and3A_480 = arith.andi %ne3A_479, %ne3A_474 : i1
    %add3A_481 = arith.addi %rem3A_472, %select_n3A_471 : i32
    %select_n3A_482 = arith.select %and3A_480, %add3A_481, %rem3A_472 : i32
    %swap3A_483 = arith.constant 0 : i32
    %swap3A_484 = arith.index_cast %swap3A_483 : i32 to index
    %swap3A_485 = arith.constant 0 : index
    %swap3A_486 = tpu.vector_load %arg5[%swap3A_484, %swap3A_485] {strides = array<i32>} : memref<32x32xi32, #tpu.memory_space<vmem>>, vector<16xi32>,
    tpu.vector_store %arg5[%swap3A_484, %swap3A_485], %broadcast_in_dim3A_1 {strides = array<i32>} : memref<32x32xi32, #tpu.memory_space<vmem>>, vector<16xi32>,
    %swap3A_487 = arith.constant 0 : i32
    %swap3A_488 = arith.index_cast %swap3A_487 : i32 to index
    %swap3A_489 = arith.constant 16 : index
    %swap3A_490 = tpu.vector_load %arg5[%swap3A_488, %swap3A_489] {strides = array<i32>} : memref<32x32xi32, #tpu.memory_space<vmem>>, vector<16xi32>,
    tpu.vector_store %arg5[%swap3A_488, %swap3A_489], %broadcast_in_dim3A_1 {strides = array<i32>} : memref<32x32xi32, #tpu.memory_space<vmem>>, vector<16xi32>,
    %swap3A_491 = arith.constant 1 : i32
    %swap3A_492 = arith.index_cast %swap3A_491 : i32 to index
    %swap3A_493 = arith.constant 0 : index
    %swap3A_494 = tpu.vector_load %arg5[%swap3A_492, %swap3A_493] {strides = array<i32>} : memref<32x32xi32, #tpu.memory_space<vmem>>, vector<16xi32>,
    tpu.vector_store %arg5[%swap3A_492, %swap3A_493], %broadcast_in_dim3A_1 {strides = array<i32>} : memref<32x32xi32, #tpu.memory_space<vmem>>, vector<16xi32>,
    %swap3A_495 = arith.constant 1 : i32
    %swap3A_496 = arith.index_cast %swap3A_495 : i32 to index
    %swap3A_497 = arith.constant 16 : index
    %swap3A_498 = tpu.vector_load %arg5[%swap3A_496, %swap3A_497] {strides = array<i32>} : memref<32x32xi32, #tpu.memory_space<vmem>>, vector<16xi32>,
    tpu.vector_store %arg5[%swap3A_496, %swap3A_497], %broadcast_in_dim3A_1 {strides = array<i32>} : memref<32x32xi32, #tpu.memory_space<vmem>>, vector<16xi32>,
    %swap3A_499 = arith.constant 2 : i32
    %swap3A_500 = arith.index_cast %swap3A_499 : i32 to index
    %swap3A_501 = arith.constant 0 : index
    %swap3A_502 = tpu.vector_load %arg5[%swap3A_500, %swap3A_501] {strides = array<i32>} : memref<32x32xi32, #tpu.memory_space<vmem>>, vector<16xi32>,
    tpu.vector_store %arg5[%swap3A_500, %swap3A_501], %broadcast_in_dim3A_1 {strides = array<i32>} : memref<32x32xi32, #tpu.memory_space<vmem>>, vector<16xi32>,
    %swap3A_503 = arith.constant 2 : i32
    %swap3A_504 = arith.index_cast %swap3A_503 : i32 to index
    %swap3A_505 = arith.constant 16 : index
    %swap3A_506 = tpu.vector_load %arg5[%swap3A_504, %swap3A_505] {strides = array<i32>} : memref<32x32xi32, #tpu.memory_space<vmem>>, vector<16xi32>,
    tpu.vector_store %arg5[%swap3A_504, %swap3A_505], %broadcast_in_dim3A_1 {strides = array<i32>} : memref<32x32xi32, #tpu.memory_space<vmem>>, vector<16xi32>,
    %swap3A_507 = arith.constant 3 : i32
    %swap3A_508 = arith.index_cast %swap3A_507 : i32 to index
    %swap3A_509 = arith.constant 0 : index
    %swap3A_510 = tpu.vector_load %arg5[%swap3A_508, %swap3A_509] {strides = array<i32>} : memref<32x32xi32, #tpu.memory_space<vmem>>, vector<16xi32>,
    tpu.vector_store %arg5[%swap3A_508, %swap3A_509], %broadcast_in_dim3A_1 {strides = array<i32>} : memref<32x32xi32, #tpu.memory_space<vmem>>, vector<16xi32>,
    %swap3A_511 = arith.constant 3 : i32
    %swap3A_512 = arith.index_cast %swap3A_511 : i32 to index
    %swap3A_513 = arith.constant 16 : index
    %swap3A_514 = tpu.vector_load %arg5[%swap3A_512, %swap3A_513] {strides = array<i32>} : memref<32x32xi32, #tpu.memory_space<vmem>>, vector<16xi32>,
    tpu.vector_store %arg5[%swap3A_512, %swap3A_513], %broadcast_in_dim3A_1 {strides = array<i32>} : memref<32x32xi32, #tpu.memory_space<vmem>>, vector<16xi32>,
    %swap3A_515 = arith.constant 4 : i32
    %swap3A_516 = arith.index_cast %swap3A_515 : i32 to index
    %swap3A_517 = arith.constant 0 : index
    %swap3A_518 = tpu.vector_load %arg5[%swap3A_516, %swap3A_517] {strides = array<i32>} : memref<32x32xi32, #tpu.memory_space<vmem>>, vector<16xi32>,
    tpu.vector_store %arg5[%swap3A_516, %swap3A_517], %broadcast_in_dim3A_1 {strides = array<i32>} : memref<32x32xi32, #tpu.memory_space<vmem>>, vector<16xi32>,
    %swap3A_519 = arith.constant 4 : i32
    %swap3A_520 = arith.index_cast %swap3A_519 : i32 to index
    %swap3A_521 = arith.constant 16 : index
    %swap3A_522 = tpu.vector_load %arg5[%swap3A_520, %swap3A_521] {strides = array<i32>} : memref<32x32xi32, #tpu.memory_space<vmem>>, vector<16xi32>,
    tpu.vector_store %arg5[%swap3A_520, %swap3A_521], %broadcast_in_dim3A_1 {strides = array<i32>} : memref<32x32xi32, #tpu.memory_space<vmem>>, vector<16xi32>,
    %swap3A_523 = arith.constant 5 : i32
    %swap3A_524 = arith.index_cast %swap3A_523 : i32 to index
    %swap3A_525 = arith.constant 0 : index
    %swap3A_526 = tpu.vector_load %arg5[%swap3A_524, %swap3A_525] {strides = array<i32>} : memref<32x32xi32, #tpu.memory_space<vmem>>, vector<16xi32>,
    tpu.vector_store %arg5[%swap3A_524, %swap3A_525], %broadcast_in_dim3A_1 {strides = array<i32>} : memref<32x32xi32, #tpu.memory_space<vmem>>, vector<16xi32>,
    %swap3A_527 = arith.constant 5 : i32
    %swap3A_528 = arith.index_cast %swap3A_527 : i32 to index
    %swap3A_529 = arith.constant 16 : index
    %swap3A_530 = tpu.vector_load %arg5[%swap3A_528, %swap3A_529] {strides = array<i32>} : memref<32x32xi32, #tpu.memory_space<vmem>>, vector<16xi32>,
    tpu.vector_store %arg5[%swap3A_528, %swap3A_529], %broadcast_in_dim3A_1 {strides = array<i32>} : memref<32x32xi32, #tpu.memory_space<vmem>>, vector<16xi32>,
    %swap3A_531 = arith.constant 6 : i32
    %swap3A_532 = arith.index_cast %swap3A_531 : i32 to index
    %swap3A_533 = arith.constant 0 : index
    %swap3A_534 = tpu.vector_load %arg5[%swap3A_532, %swap3A_533] {strides = array<i32>} : memref<32x32xi32, #tpu.memory_space<vmem>>, vector<16xi32>,
    tpu.vector_store %arg5[%swap3A_532, %swap3A_533], %broadcast_in_dim3A_1 {strides = array<i32>} : memref<32x32xi32, #tpu.memory_space<vmem>>, vector<16xi32>,
    %swap3A_535 = arith.constant 6 : i32
    %swap3A_536 = arith.index_cast %swap3A_535 : i32 to index
    %swap3A_537 = arith.constant 16 : index
    %swap3A_538 = tpu.vector_load %arg5[%swap3A_536, %swap3A_537] {strides = array<i32>} : memref<32x32xi32, #tpu.memory_space<vmem>>, vector<16xi32>,
    tpu.vector_store %arg5[%swap3A_536, %swap3A_537], %broadcast_in_dim3A_1 {strides = array<i32>} : memref<32x32xi32, #tpu.memory_space<vmem>>, vector<16xi32>,
    %swap3A_539 = arith.constant 7 : i32
    %swap3A_540 = arith.index_cast %swap3A_539 : i32 to index
    %swap3A_541 = arith.constant 0 : index
    %swap3A_542 = tpu.vector_load %arg5[%swap3A_540, %swap3A_541] {strides = array<i32>} : memref<32x32xi32, #tpu.memory_space<vmem>>, vector<16xi32>,
    tpu.vector_store %arg5[%swap3A_540, %swap3A_541], %broadcast_in_dim3A_1 {strides = array<i32>} : memref<32x32xi32, #tpu.memory_space<vmem>>, vector<16xi32>,
    %swap3A_543 = arith.constant 7 : i32
    %swap3A_544 = arith.index_cast %swap3A_543 : i32 to index
    %swap3A_545 = arith.constant 16 : index
    %swap3A_546 = tpu.vector_load %arg5[%swap3A_544, %swap3A_545] {strides = array<i32>} : memref<32x32xi32, #tpu.memory_space<vmem>>, vector<16xi32>,
    tpu.vector_store %arg5[%swap3A_544, %swap3A_545], %broadcast_in_dim3A_1 {strides = array<i32>} : memref<32x32xi32, #tpu.memory_space<vmem>>, vector<16xi32>,
    %swap3A_547 = arith.constant 8 : i32
    %swap3A_548 = arith.index_cast %swap3A_547 : i32 to index
    %swap3A_549 = arith.constant 0 : index
    %swap3A_550 = tpu.vector_load %arg5[%swap3A_548, %swap3A_549] {strides = array<i32>} : memref<32x32xi32, #tpu.memory_space<vmem>>, vector<16xi32>,
    tpu.vector_store %arg5[%swap3A_548, %swap3A_549], %broadcast_in_dim3A_1 {strides = array<i32>} : memref<32x32xi32, #tpu.memory_space<vmem>>, vector<16xi32>,
    %swap3A_551 = arith.constant 8 : i32
    %swap3A_552 = arith.index_cast %swap3A_551 : i32 to index
    %swap3A_553 = arith.constant 16 : index
    %swap3A_554 = tpu.vector_load %arg5[%swap3A_552, %swap3A_553] {strides = array<i32>} : memref<32x32xi32, #tpu.memory_space<vmem>>, vector<16xi32>,
    tpu.vector_store %arg5[%swap3A_552, %swap3A_553], %broadcast_in_dim3A_1 {strides = array<i32>} : memref<32x32xi32, #tpu.memory_space<vmem>>, vector<16xi32>,
    %swap3A_555 = arith.constant 9 : i32
    %swap3A_556 = arith.index_cast %swap3A_555 : i32 to index
    %swap3A_557 = arith.constant 0 : index
    %swap3A_558 = tpu.vector_load %arg5[%swap3A_556, %swap3A_557] {strides = array<i32>} : memref<32x32xi32, #tpu.memory_space<vmem>>, vector<16xi32>,
    tpu.vector_store %arg5[%swap3A_556, %swap3A_557], %broadcast_in_dim3A_1 {strides = array<i32>} : memref<32x32xi32, #tpu.memory_space<vmem>>, vector<16xi32>,
    %swap3A_559 = arith.constant 9 : i32
    %swap3A_560 = arith.index_cast %swap3A_559 : i32 to index
    %swap3A_561 = arith.constant 16 : index
    %swap3A_562 = tpu.vector_load %arg5[%swap3A_560, %swap3A_561] {strides = array<i32>} : memref<32x32xi32, #tpu.memory_space<vmem>>, vector<16xi32>,
    tpu.vector_store %arg5[%swap3A_560, %swap3A_561], %broadcast_in_dim3A_1 {strides = array<i32>} : memref<32x32xi32, #tpu.memory_space<vmem>>, vector<16xi32>,
    %swap3A_563 = arith.constant 10 : i32
    %swap3A_564 = arith.index_cast %swap3A_563 : i32 to index
    %swap3A_565 = arith.constant 0 : index
    %swap3A_566 = tpu.vector_load %arg5[%swap3A_564, %swap3A_565] {strides = array<i32>} : memref<32x32xi32, #tpu.memory_space<vmem>>, vector<16xi32>,
    tpu.vector_store %arg5[%swap3A_564, %swap3A_565], %broadcast_in_dim3A_1 {strides = array<i32>} : memref<32x32xi32, #tpu.memory_space<vmem>>, vector<16xi32>,
    %swap3A_567 = arith.constant 10 : i32
    %swap3A_568 = arith.index_cast %swap3A_567 : i32 to index
    %swap3A_569 = arith.constant 16 : index
    %swap3A_570 = tpu.vector_load %arg5[%swap3A_568, %swap3A_569] {strides = array<i32>} : memref<32x32xi32, #tpu.memory_space<vmem>>, vector<16xi32>,
    tpu.vector_store %arg5[%swap3A_568, %swap3A_569], %broadcast_in_dim3A_1 {strides = array<i32>} : memref<32x32xi32, #tpu.memory_space<vmem>>, vector<16xi32>,
    %swap3A_571 = arith.constant 11 : i32
    %swap3A_572 = arith.index_cast %swap3A_571 : i32 to index
    %swap3A_573 = arith.constant 0 : index
    %swap3A_574 = tpu.vector_load %arg5[%swap3A_572, %swap3A_573] {strides = array<i32>} : memref<32x32xi32, #tpu.memory_space<vmem>>, vector<16xi32>,
    tpu.vector_store %arg5[%swap3A_572, %swap3A_573], %broadcast_in_dim3A_1 {strides = array<i32>} : memref<32x32xi32, #tpu.memory_space<vmem>>, vector<16xi32>,
    %swap3A_575 = arith.constant 11 : i32
    %swap3A_576 = arith.index_cast %swap3A_575 : i32 to index
    %swap3A_577 = arith.constant 16 : index
    %swap3A_578 = tpu.vector_load %arg5[%swap3A_576, %swap3A_577] {strides = array<i32>} : memref<32x32xi32, #tpu.memory_space<vmem>>, vector<16xi32>,
    tpu.vector_store %arg5[%swap3A_576, %swap3A_577], %broadcast_in_dim3A_1 {strides = array<i32>} : memref<32x32xi32, #tpu.memory_space<vmem>>, vector<16xi32>,
    %swap3A_579 = arith.constant 12 : i32
    %swap3A_580 = arith.index_cast %swap3A_579 : i32 to index
    %swap3A_581 = arith.constant 0 : index
    %swap3A_582 = tpu.vector_load %arg5[%swap3A_580, %swap3A_581] {strides = array<i32>} : memref<32x32xi32, #tpu.memory_space<vmem>>, vector<16xi32>,
    tpu.vector_store %arg5[%swap3A_580, %swap3A_581], %broadcast_in_dim3A_1 {strides = array<i32>} : memref<32x32xi32, #tpu.memory_space<vmem>>, vector<16xi32>,
    %swap3A_583 = arith.constant 12 : i32
    %swap3A_584 = arith.index_cast %swap3A_583 : i32 to index
    %swap3A_585 = arith.constant 16 : index
    %swap3A_586 = tpu.vector_load %arg5[%swap3A_584, %swap3A_585] {strides = array<i32>} : memref<32x32xi32, #tpu.memory_space<vmem>>, vector<16xi32>,
    tpu.vector_store %arg5[%swap3A_584, %swap3A_585], %broadcast_in_dim3A_1 {strides = array<i32>} : memref<32x32xi32, #tpu.memory_space<vmem>>, vector<16xi32>,
    %swap3A_587 = arith.constant 13 : i32
    %swap3A_588 = arith.index_cast %swap3A_587 : i32 to index
    %swap3A_589 = arith.constant 0 : index
    %swap3A_590 = tpu.vector_load %arg5[%swap3A_588, %swap3A_589] {strides = array<i32>} : memref<32x32xi32, #tpu.memory_space<vmem>>, vector<16xi32>,
    tpu.vector_store %arg5[%swap3A_588, %swap3A_589], %broadcast_in_dim3A_1 {strides = array<i32>} : memref<32x32xi32, #tpu.memory_space<vmem>>, vector<16xi32>,
    %swap3A_591 = arith.constant 13 : i32
    %swap3A_592 = arith.index_cast %swap3A_591 : i32 to index
    %swap3A_593 = arith.constant 16 : index
    %swap3A_594 = tpu.vector_load %arg5[%swap3A_592, %swap3A_593] {strides = array<i32>} : memref<32x32xi32, #tpu.memory_space<vmem>>, vector<16xi32>,
    tpu.vector_store %arg5[%swap3A_592, %swap3A_593], %broadcast_in_dim3A_1 {strides = array<i32>} : memref<32x32xi32, #tpu.memory_space<vmem>>, vector<16xi32>,
    %swap3A_595 = arith.constant 14 : i32
    %swap3A_596 = arith.index_cast %swap3A_595 : i32 to index
    %swap3A_597 = arith.constant 0 : index
    %swap3A_598 = tpu.vector_load %arg5[%swap3A_596, %swap3A_597] {strides = array<i32>} : memref<32x32xi32, #tpu.memory_space<vmem>>, vector<16xi32>,
    tpu.vector_store %arg5[%swap3A_596, %swap3A_597], %broadcast_in_dim3A_1 {strides = array<i32>} : memref<32x32xi32, #tpu.memory_space<vmem>>, vector<16xi32>,
    %swap3A_599 = arith.constant 14 : i32
    %swap3A_600 = arith.index_cast %swap3A_599 : i32 to index
    %swap3A_601 = arith.constant 16 : index
    %swap3A_602 = tpu.vector_load %arg5[%swap3A_600, %swap3A_601] {strides = array<i32>} : memref<32x32xi32, #tpu.memory_space<vmem>>, vector<16xi32>,
    tpu.vector_store %arg5[%swap3A_600, %swap3A_601], %broadcast_in_dim3A_1 {strides = array<i32>} : memref<32x32xi32, #tpu.memory_space<vmem>>, vector<16xi32>,
    %swap3A_603 = arith.constant 15 : i32
    %swap3A_604 = arith.index_cast %swap3A_603 : i32 to index
    %swap3A_605 = arith.constant 0 : index
    %swap3A_606 = tpu.vector_load %arg5[%swap3A_604, %swap3A_605] {strides = array<i32>} : memref<32x32xi32, #tpu.memory_space<vmem>>, vector<16xi32>,
    tpu.vector_store %arg5[%swap3A_604, %swap3A_605], %broadcast_in_dim3A_1 {strides = array<i32>} : memref<32x32xi32, #tpu.memory_space<vmem>>, vector<16xi32>,
    %swap3A_607 = arith.constant 15 : i32
    %swap3A_608 = arith.index_cast %swap3A_607 : i32 to index
    %swap3A_609 = arith.constant 16 : index
    %swap3A_610 = tpu.vector_load %arg5[%swap3A_608, %swap3A_609] {strides = array<i32>} : memref<32x32xi32, #tpu.memory_space<vmem>>, vector<16xi32>,
    tpu.vector_store %arg5[%swap3A_608, %swap3A_609], %broadcast_in_dim3A_1 {strides = array<i32>} : memref<32x32xi32, #tpu.memory_space<vmem>>, vector<16xi32>,
    %swap3A_611 = arith.constant 16 : i32
    %swap3A_612 = arith.index_cast %swap3A_611 : i32 to index
    %swap3A_613 = arith.constant 0 : index
    %swap3A_614 = tpu.vector_load %arg5[%swap3A_612, %swap3A_613] {strides = array<i32>} : memref<32x32xi32, #tpu.memory_space<vmem>>, vector<16xi32>,
    tpu.vector_store %arg5[%swap3A_612, %swap3A_613], %broadcast_in_dim3A_1 {strides = array<i32>} : memref<32x32xi32, #tpu.memory_space<vmem>>, vector<16xi32>,
    %swap3A_615 = arith.constant 16 : i32
    %swap3A_616 = arith.index_cast %swap3A_615 : i32 to index
    %swap3A_617 = arith.constant 16 : index
    %swap3A_618 = tpu.vector_load %arg5[%swap3A_616, %swap3A_617] {strides = array<i32>} : memref<32x32xi32, #tpu.memory_space<vmem>>, vector<16xi32>,
    tpu.vector_store %arg5[%swap3A_616, %swap3A_617], %broadcast_in_dim3A_1 {strides = array<i32>} : memref<32x32xi32, #tpu.memory_space<vmem>>, vector<16xi32>,
    %swap3A_619 = arith.constant 17 : i32
    %swap3A_620 = arith.index_cast %swap3A_619 : i32 to index
    %swap3A_621 = arith.constant 0 : index
    %swap3A_622 = tpu.vector_load %arg5[%swap3A_620, %swap3A_621] {strides = array<i32>} : memref<32x32xi32, #tpu.memory_space<vmem>>, vector<16xi32>,
    tpu.vector_store %arg5[%swap3A_620, %swap3A_621], %broadcast_in_dim3A_1 {strides = array<i32>} : memref<32x32xi32, #tpu.memory_space<vmem>>, vector<16xi32>,
    %swap3A_623 = arith.constant 17 : i32
    %swap3A_624 = arith.index_cast %swap3A_623 : i32 to index
    %swap3A_625 = arith.constant 16 : index
    %swap3A_626 = tpu.vector_load %arg5[%swap3A_624, %swap3A_625] {strides = array<i32>} : memref<32x32xi32, #tpu.memory_space<vmem>>, vector<16xi32>,
    tpu.vector_store %arg5[%swap3A_624, %swap3A_625], %broadcast_in_dim3A_1 {strides = array<i32>} : memref<32x32xi32, #tpu.memory_space<vmem>>, vector<16xi32>,
    %swap3A_627 = arith.constant 18 : i32
    %swap3A_628 = arith.index_cast %swap3A_627 : i32 to index
    %swap3A_629 = arith.constant 0 : index
    %swap3A_630 = tpu.vector_load %arg5[%swap3A_628, %swap3A_629] {strides = array<i32>} : memref<32x32xi32, #tpu.memory_space<vmem>>, vector<16xi32>,
    tpu.vector_store %arg5[%swap3A_628, %swap3A_629], %broadcast_in_dim3A_1 {strides = array<i32>} : memref<32x32xi32, #tpu.memory_space<vmem>>, vector<16xi32>,
    %swap3A_631 = arith.constant 18 : i32
    %swap3A_632 = arith.index_cast %swap3A_631 : i32 to index
    %swap3A_633 = arith.constant 16 : index
    %swap3A_634 = tpu.vector_load %arg5[%swap3A_632, %swap3A_633] {strides = array<i32>} : memref<32x32xi32, #tpu.memory_space<vmem>>, vector<16xi32>,
    tpu.vector_store %arg5[%swap3A_632, %swap3A_633], %broadcast_in_dim3A_1 {strides = array<i32>} : memref<32x32xi32, #tpu.memory_space<vmem>>, vector<16xi32>,
    %swap3A_635 = arith.constant 19 : i32
    %swap3A_636 = arith.index_cast %swap3A_635 : i32 to index
    %swap3A_637 = arith.constant 0 : index
    %swap3A_638 = tpu.vector_load %arg5[%swap3A_636, %swap3A_637] {strides = array<i32>} : memref<32x32xi32, #tpu.memory_space<vmem>>, vector<16xi32>,
    tpu.vector_store %arg5[%swap3A_636, %swap3A_637], %broadcast_in_dim3A_1 {strides = array<i32>} : memref<32x32xi32, #tpu.memory_space<vmem>>, vector<16xi32>,
    %swap3A_639 = arith.constant 19 : i32
    %swap3A_640 = arith.index_cast %swap3A_639 : i32 to index
    %swap3A_641 = arith.constant 16 : index
    %swap3A_642 = tpu.vector_load %arg5[%swap3A_640, %swap3A_641] {strides = array<i32>} : memref<32x32xi32, #tpu.memory_space<vmem>>, vector<16xi32>,
    tpu.vector_store %arg5[%swap3A_640, %swap3A_641], %broadcast_in_dim3A_1 {strides = array<i32>} : memref<32x32xi32, #tpu.memory_space<vmem>>, vector<16xi32>,
    %swap3A_643 = arith.constant 20 : i32
    %swap3A_644 = arith.index_cast %swap3A_643 : i32 to index
    %swap3A_645 = arith.constant 0 : index
    %swap3A_646 = tpu.vector_load %arg5[%swap3A_644, %swap3A_645] {strides = array<i32>} : memref<32x32xi32, #tpu.memory_space<vmem>>, vector<16xi32>,
    tpu.vector_store %arg5[%swap3A_644, %swap3A_645], %broadcast_in_dim3A_1 {strides = array<i32>} : memref<32x32xi32, #tpu.memory_space<vmem>>, vector<16xi32>,
    %swap3A_647 = arith.constant 20 : i32
    %swap3A_648 = arith.index_cast %swap3A_647 : i32 to index
    %swap3A_649 = arith.constant 16 : index
    %swap3A_650 = tpu.vector_load %arg5[%swap3A_648, %swap3A_649] {strides = array<i32>} : memref<32x32xi32, #tpu.memory_space<vmem>>, vector<16xi32>,
    tpu.vector_store %arg5[%swap3A_648, %swap3A_649], %broadcast_in_dim3A_1 {strides = array<i32>} : memref<32x32xi32, #tpu.memory_space<vmem>>, vector<16xi32>,
    %swap3A_651 = arith.constant 21 : i32
    %swap3A_652 = arith.index_cast %swap3A_651 : i32 to index
    %swap3A_653 = arith.constant 0 : index
    %swap3A_654 = tpu.vector_load %arg5[%swap3A_652, %swap3A_653] {strides = array<i32>} : memref<32x32xi32, #tpu.memory_space<vmem>>, vector<16xi32>,
    tpu.vector_store %arg5[%swap3A_652, %swap3A_653], %broadcast_in_dim3A_1 {strides = array<i32>} : memref<32x32xi32, #tpu.memory_space<vmem>>, vector<16xi32>,
    %swap3A_655 = arith.constant 21 : i32
    %swap3A_656 = arith.index_cast %swap3A_655 : i32 to index
    %swap3A_657 = arith.constant 16 : index
    %swap3A_658 = tpu.vector_load %arg5[%swap3A_656, %swap3A_657] {strides = array<i32>} : memref<32x32xi32, #tpu.memory_space<vmem>>, vector<16xi32>,
    tpu.vector_store %arg5[%swap3A_656, %swap3A_657], %broadcast_in_dim3A_1 {strides = array<i32>} : memref<32x32xi32, #tpu.memory_space<vmem>>, vector<16xi32>,
    %swap3A_659 = arith.constant 22 : i32
    %swap3A_660 = arith.index_cast %swap3A_659 : i32 to index
    %swap3A_661 = arith.constant 0 : index
    %swap3A_662 = tpu.vector_load %arg5[%swap3A_660, %swap3A_661] {strides = array<i32>} : memref<32x32xi32, #tpu.memory_space<vmem>>, vector<16xi32>,
    tpu.vector_store %arg5[%swap3A_660, %swap3A_661], %broadcast_in_dim3A_1 {strides = array<i32>} : memref<32x32xi32, #tpu.memory_space<vmem>>, vector<16xi32>,
    %swap3A_663 = arith.constant 22 : i32
    %swap3A_664 = arith.index_cast %swap3A_663 : i32 to index
    %swap3A_665 = arith.constant 16 : index
    %swap3A_666 = tpu.vector_load %arg5[%swap3A_664, %swap3A_665] {strides = array<i32>} : memref<32x32xi32, #tpu.memory_space<vmem>>, vector<16xi32>,
    tpu.vector_store %arg5[%swap3A_664, %swap3A_665], %broadcast_in_dim3A_1 {strides = array<i32>} : memref<32x32xi32, #tpu.memory_space<vmem>>, vector<16xi32>,
    %swap3A_667 = arith.constant 23 : i32
    %swap3A_668 = arith.index_cast %swap3A_667 : i32 to index
    %swap3A_669 = arith.constant 0 : index
    %swap3A_670 = tpu.vector_load %arg5[%swap3A_668, %swap3A_669] {strides = array<i32>} : memref<32x32xi32, #tpu.memory_space<vmem>>, vector<16xi32>,
    tpu.vector_store %arg5[%swap3A_668, %swap3A_669], %broadcast_in_dim3A_1 {strides = array<i32>} : memref<32x32xi32, #tpu.memory_space<vmem>>, vector<16xi32>,
    %swap3A_671 = arith.constant 23 : i32
    %swap3A_672 = arith.index_cast %swap3A_671 : i32 to index
    %swap3A_673 = arith.constant 16 : index
    %swap3A_674 = tpu.vector_load %arg5[%swap3A_672, %swap3A_673] {strides = array<i32>} : memref<32x32xi32, #tpu.memory_space<vmem>>, vector<16xi32>,
    tpu.vector_store %arg5[%swap3A_672, %swap3A_673], %broadcast_in_dim3A_1 {strides = array<i32>} : memref<32x32xi32, #tpu.memory_space<vmem>>, vector<16xi32>,
    %swap3A_675 = arith.constant 24 : i32
    %swap3A_676 = arith.index_cast %swap3A_675 : i32 to index
    %swap3A_677 = arith.constant 0 : index
    %swap3A_678 = tpu.vector_load %arg5[%swap3A_676, %swap3A_677] {strides = array<i32>} : memref<32x32xi32, #tpu.memory_space<vmem>>, vector<16xi32>,
    tpu.vector_store %arg5[%swap3A_676, %swap3A_677], %broadcast_in_dim3A_1 {strides = array<i32>} : memref<32x32xi32, #tpu.memory_space<vmem>>, vector<16xi32>,
    %swap3A_679 = arith.constant 24 : i32
    %swap3A_680 = arith.index_cast %swap3A_679 : i32 to index
    %swap3A_681 = arith.constant 16 : index
    %swap3A_682 = tpu.vector_load %arg5[%swap3A_680, %swap3A_681] {strides = array<i32>} : memref<32x32xi32, #tpu.memory_space<vmem>>, vector<16xi32>,
    tpu.vector_store %arg5[%swap3A_680, %swap3A_681], %broadcast_in_dim3A_1 {strides = array<i32>} : memref<32x32xi32, #tpu.memory_space<vmem>>, vector<16xi32>,
    %swap3A_683 = arith.constant 25 : i32
    %swap3A_684 = arith.index_cast %swap3A_683 : i32 to index
    %swap3A_685 = arith.constant 0 : index
    %swap3A_686 = tpu.vector_load %arg5[%swap3A_684, %swap3A_685] {strides = array<i32>} : memref<32x32xi32, #tpu.memory_space<vmem>>, vector<16xi32>,
    tpu.vector_store %arg5[%swap3A_684, %swap3A_685], %broadcast_in_dim3A_1 {strides = array<i32>} : memref<32x32xi32, #tpu.memory_space<vmem>>, vector<16xi32>,
    %swap3A_687 = arith.constant 25 : i32
    %swap3A_688 = arith.index_cast %swap3A_687 : i32 to index
    %swap3A_689 = arith.constant 16 : index
    %swap3A_690 = tpu.vector_load %arg5[%swap3A_688, %swap3A_689] {strides = array<i32>} : memref<32x32xi32, #tpu.memory_space<vmem>>, vector<16xi32>,
    tpu.vector_store %arg5[%swap3A_688, %swap3A_689], %broadcast_in_dim3A_1 {strides = array<i32>} : memref<32x32xi32, #tpu.memory_space<vmem>>, vector<16xi32>,
    %swap3A_691 = arith.constant 26 : i32
    %swap3A_692 = arith.index_cast %swap3A_691 : i32 to index
    %swap3A_693 = arith.constant 0 : index
    %swap3A_694 = tpu.vector_load %arg5[%swap3A_692, %swap3A_693] {strides = array<i32>} : memref<32x32xi32, #tpu.memory_space<vmem>>, vector<16xi32>,
    tpu.vector_store %arg5[%swap3A_692, %swap3A_693], %broadcast_in_dim3A_1 {strides = array<i32>} : memref<32x32xi32, #tpu.memory_space<vmem>>, vector<16xi32>,
    %swap3A_695 = arith.constant 26 : i32
    %swap3A_696 = arith.index_cast %swap3A_695 : i32 to index
    %swap3A_697 = arith.constant 16 : index
    %swap3A_698 = tpu.vector_load %arg5[%swap3A_696, %swap3A_697] {strides = array<i32>} : memref<32x32xi32, #tpu.memory_space<vmem>>, vector<16xi32>,
    tpu.vector_store %arg5[%swap3A_696, %swap3A_697], %broadcast_in_dim3A_1 {strides = array<i32>} : memref<32x32xi32, #tpu.memory_space<vmem>>, vector<16xi32>,
    %swap3A_699 = arith.constant 27 : i32
    %swap3A_700 = arith.index_cast %swap3A_699 : i32 to index
    %swap3A_701 = arith.constant 0 : index
    %swap3A_702 = tpu.vector_load %arg5[%swap3A_700, %swap3A_701] {strides = array<i32>} : memref<32x32xi32, #tpu.memory_space<vmem>>, vector<16xi32>,
    tpu.vector_store %arg5[%swap3A_700, %swap3A_701], %broadcast_in_dim3A_1 {strides = array<i32>} : memref<32x32xi32, #tpu.memory_space<vmem>>, vector<16xi32>,
    %swap3A_703 = arith.constant 27 : i32
    %swap3A_704 = arith.index_cast %swap3A_703 : i32 to index
    %swap3A_705 = arith.constant 16 : index
    %swap3A_706 = tpu.vector_load %arg5[%swap3A_704, %swap3A_705] {strides = array<i32>} : memref<32x32xi32, #tpu.memory_space<vmem>>, vector<16xi32>,
    tpu.vector_store %arg5[%swap3A_704, %swap3A_705], %broadcast_in_dim3A_1 {strides = array<i32>} : memref<32x32xi32, #tpu.memory_space<vmem>>, vector<16xi32>,
    %swap3A_707 = arith.constant 28 : i32
    %swap3A_708 = arith.index_cast %swap3A_707 : i32 to index
    %swap3A_709 = arith.constant 0 : index
    %swap3A_710 = tpu.vector_load %arg5[%swap3A_708, %swap3A_709] {strides = array<i32>} : memref<32x32xi32, #tpu.memory_space<vmem>>, vector<16xi32>,
    tpu.vector_store %arg5[%swap3A_708, %swap3A_709], %broadcast_in_dim3A_1 {strides = array<i32>} : memref<32x32xi32, #tpu.memory_space<vmem>>, vector<16xi32>,
    %swap3A_711 = arith.constant 28 : i32
    %swap3A_712 = arith.index_cast %swap3A_711 : i32 to index
    %swap3A_713 = arith.constant 16 : index
    %swap3A_714 = tpu.vector_load %arg5[%swap3A_712, %swap3A_713] {strides = array<i32>} : memref<32x32xi32, #tpu.memory_space<vmem>>, vector<16xi32>,
    tpu.vector_store %arg5[%swap3A_712, %swap3A_713], %broadcast_in_dim3A_1 {strides = array<i32>} : memref<32x32xi32, #tpu.memory_space<vmem>>, vector<16xi32>,
    %swap3A_715 = arith.constant 29 : i32
    %swap3A_716 = arith.index_cast %swap3A_715 : i32 to index
    %swap3A_717 = arith.constant 0 : index
    %swap3A_718 = tpu.vector_load %arg5[%swap3A_716, %swap3A_717] {strides = array<i32>} : memref<32x32xi32, #tpu.memory_space<vmem>>, vector<16xi32>,
    tpu.vector_store %arg5[%swap3A_716, %swap3A_717], %broadcast_in_dim3A_1 {strides = array<i32>} : memref<32x32xi32, #tpu.memory_space<vmem>>, vector<16xi32>,
    %swap3A_719 = arith.constant 29 : i32
    %swap3A_720 = arith.index_cast %swap3A_719 : i32 to index
    %swap3A_721 = arith.constant 16 : index
    %swap3A_722 = tpu.vector_load %arg5[%swap3A_720, %swap3A_721] {strides = array<i32>} : memref<32x32xi32, #tpu.memory_space<vmem>>, vector<16xi32>,
    tpu.vector_store %arg5[%swap3A_720, %swap3A_721], %broadcast_in_dim3A_1 {strides = array<i32>} : memref<32x32xi32, #tpu.memory_space<vmem>>, vector<16xi32>,
    %swap3A_723 = arith.constant 30 : i32
    %swap3A_724 = arith.index_cast %swap3A_723 : i32 to index
    %swap3A_725 = arith.constant 0 : index
    %swap3A_726 = tpu.vector_load %arg5[%swap3A_724, %swap3A_725] {strides = array<i32>} : memref<32x32xi32, #tpu.memory_space<vmem>>, vector<16xi32>,
    tpu.vector_store %arg5[%swap3A_724, %swap3A_725], %broadcast_in_dim3A_1 {strides = array<i32>} : memref<32x32xi32, #tpu.memory_space<vmem>>, vector<16xi32>,
    %swap3A_727 = arith.constant 30 : i32
    %swap3A_728 = arith.index_cast %swap3A_727 : i32 to index
    %swap3A_729 = arith.constant 16 : index
    %swap3A_730 = tpu.vector_load %arg5[%swap3A_728, %swap3A_729] {strides = array<i32>} : memref<32x32xi32, #tpu.memory_space<vmem>>, vector<16xi32>,
    tpu.vector_store %arg5[%swap3A_728, %swap3A_729], %broadcast_in_dim3A_1 {strides = array<i32>} : memref<32x32xi32, #tpu.memory_space<vmem>>, vector<16xi32>,
    %swap3A_731 = arith.constant 31 : i32
    %swap3A_732 = arith.index_cast %swap3A_731 : i32 to index
    %swap3A_733 = arith.constant 0 : index
    %swap3A_734 = tpu.vector_load %arg5[%swap3A_732, %swap3A_733] {strides = array<i32>} : memref<32x32xi32, #tpu.memory_space<vmem>>, vector<16xi32>,
    tpu.vector_store %arg5[%swap3A_732, %swap3A_733], %broadcast_in_dim3A_1 {strides = array<i32>} : memref<32x32xi32, #tpu.memory_space<vmem>>, vector<16xi32>,
    %swap3A_735 = arith.constant 31 : i32
    %swap3A_736 = arith.index_cast %swap3A_735 : i32 to index
    %swap3A_737 = arith.constant 16 : index
    %swap3A_738 = tpu.vector_load %arg5[%swap3A_736, %swap3A_737] {strides = array<i32>} : memref<32x32xi32, #tpu.memory_space<vmem>>, vector<16xi32>,
    tpu.vector_store %arg5[%swap3A_736, %swap3A_737], %broadcast_in_dim3A_1 {strides = array<i32>} : memref<32x32xi32, #tpu.memory_space<vmem>>, vector<16xi32>,
    %get3A_739 = arith.index_cast %select_n3A_482 : i32 to index
    %get3A_740 = arith.constant 0 : index
    %get3A_741 = tpu.vector_load %arg4[%get3A_739, %get3A_740] {strides = array<i32>} : memref<8x256xi32, #tpu.memory_space<vmem>>, vector<16xi32>,
    %shift_right_arithmetic3A_742 = arith.constant 5 : i32
    %shift_right_arithmetic3A_743 = vector.broadcast %shift_right_arithmetic3A_742 : i32 to vector<16xi32>
    %shift_right_arithmetic3A_744 = arith.shrsi %get3A_741, %shift_right_arithmetic3A_743 : vector<16xi32>
    %and3A_745 = arith.constant 31 : i32
    %and3A_746 = vector.broadcast %and3A_745 : i32 to vector<16xi32>
    %and3A_747 = arith.andi %get3A_741, %and3A_746 : vector<16xi32>
    tpu.vector_store_idx %arg5[%shift_right_arithmetic3A_744, %and3A_747], %broadcast_in_dim3A_3 : memref<32x32xi32, #tpu.memory_space<vmem>>[vector<16xi32>, vector<16xi32>], vector<16xi32>,
    %get3A_748 = arith.index_cast %select_n3A_482 : i32 to index
    %get3A_749 = arith.constant 16 : index
    %get3A_750 = tpu.vector_load %arg4[%get3A_748, %get3A_749] {strides = array<i32>} : memref<8x256xi32, #tpu.memory_space<vmem>>, vector<16xi32>,
    %shift_right_arithmetic3A_751 = arith.constant 5 : i32
    %shift_right_arithmetic3A_752 = vector.broadcast %shift_right_arithmetic3A_751 : i32 to vector<16xi32>
    %shift_right_arithmetic3A_753 = arith.shrsi %get3A_750, %shift_right_arithmetic3A_752 : vector<16xi32>
    %and3A_754 = arith.constant 31 : i32
    %and3A_755 = vector.broadcast %and3A_754 : i32 to vector<16xi32>
    %and3A_756 = arith.andi %get3A_750, %and3A_755 : vector<16xi32>
    tpu.vector_store_idx %arg5[%shift_right_arithmetic3A_753, %and3A_756], %broadcast_in_dim3A_3 : memref<32x32xi32, #tpu.memory_space<vmem>>[vector<16xi32>, vector<16xi32>], vector<16xi32>,
    %get3A_757 = arith.index_cast %select_n3A_482 : i32 to index
    %get3A_758 = arith.constant 32 : index
    %get3A_759 = tpu.vector_load %arg4[%get3A_757, %get3A_758] {strides = array<i32>} : memref<8x256xi32, #tpu.memory_space<vmem>>, vector<16xi32>,
    %shift_right_arithmetic3A_760 = arith.constant 5 : i32
    %shift_right_arithmetic3A_761 = vector.broadcast %shift_right_arithmetic3A_760 : i32 to vector<16xi32>
    %shift_right_arithmetic3A_762 = arith.shrsi %get3A_759, %shift_right_arithmetic3A_761 : vector<16xi32>
    %and3A_763 = arith.constant 31 : i32
    %and3A_764 = vector.broadcast %and3A_763 : i32 to vector<16xi32>
    %and3A_765 = arith.andi %get3A_759, %and3A_764 : vector<16xi32>
    tpu.vector_store_idx %arg5[%shift_right_arithmetic3A_762, %and3A_765], %broadcast_in_dim3A_3 : memref<32x32xi32, #tpu.memory_space<vmem>>[vector<16xi32>, vector<16xi32>], vector<16xi32>,
    %get3A_766 = arith.index_cast %select_n3A_482 : i32 to index
    %get3A_767 = arith.constant 48 : index
    %get3A_768 = tpu.vector_load %arg4[%get3A_766, %get3A_767] {strides = array<i32>} : memref<8x256xi32, #tpu.memory_space<vmem>>, vector<16xi32>,
    %shift_right_arithmetic3A_769 = arith.constant 5 : i32
    %shift_right_arithmetic3A_770 = vector.broadcast %shift_right_arithmetic3A_769 : i32 to vector<16xi32>
    %shift_right_arithmetic3A_771 = arith.shrsi %get3A_768, %shift_right_arithmetic3A_770 : vector<16xi32>
    %and3A_772 = arith.constant 31 : i32
    %and3A_773 = vector.broadcast %and3A_772 : i32 to vector<16xi32>
    %and3A_774 = arith.andi %get3A_768, %and3A_773 : vector<16xi32>
    tpu.vector_store_idx %arg5[%shift_right_arithmetic3A_771, %and3A_774], %broadcast_in_dim3A_3 : memref<32x32xi32, #tpu.memory_space<vmem>>[vector<16xi32>, vector<16xi32>], vector<16xi32>,
    %get3A_775 = arith.index_cast %select_n3A_482 : i32 to index
    %get3A_776 = arith.constant 64 : index
    %get3A_777 = tpu.vector_load %arg4[%get3A_775, %get3A_776] {strides = array<i32>} : memref<8x256xi32, #tpu.memory_space<vmem>>, vector<16xi32>,
    %shift_right_arithmetic3A_778 = arith.constant 5 : i32
    %shift_right_arithmetic3A_779 = vector.broadcast %shift_right_arithmetic3A_778 : i32 to vector<16xi32>
    %shift_right_arithmetic3A_780 = arith.shrsi %get3A_777, %shift_right_arithmetic3A_779 : vector<16xi32>
    %and3A_781 = arith.constant 31 : i32
    %and3A_782 = vector.broadcast %and3A_781 : i32 to vector<16xi32>
    %and3A_783 = arith.andi %get3A_777, %and3A_782 : vector<16xi32>
    tpu.vector_store_idx %arg5[%shift_right_arithmetic3A_780, %and3A_783], %broadcast_in_dim3A_3 : memref<32x32xi32, #tpu.memory_space<vmem>>[vector<16xi32>, vector<16xi32>], vector<16xi32>,
    %get3A_784 = arith.index_cast %select_n3A_482 : i32 to index
    %get3A_785 = arith.constant 80 : index
    %get3A_786 = tpu.vector_load %arg4[%get3A_784, %get3A_785] {strides = array<i32>} : memref<8x256xi32, #tpu.memory_space<vmem>>, vector<16xi32>,
    %shift_right_arithmetic3A_787 = arith.constant 5 : i32
    %shift_right_arithmetic3A_788 = vector.broadcast %shift_right_arithmetic3A_787 : i32 to vector<16xi32>
    %shift_right_arithmetic3A_789 = arith.shrsi %get3A_786, %shift_right_arithmetic3A_788 : vector<16xi32>
    %and3A_790 = arith.constant 31 : i32
    %and3A_791 = vector.broadcast %and3A_790 : i32 to vector<16xi32>
    %and3A_792 = arith.andi %get3A_786, %and3A_791 : vector<16xi32>
    tpu.vector_store_idx %arg5[%shift_right_arithmetic3A_789, %and3A_792], %broadcast_in_dim3A_3 : memref<32x32xi32, #tpu.memory_space<vmem>>[vector<16xi32>, vector<16xi32>], vector<16xi32>,
    %get3A_793 = arith.index_cast %select_n3A_482 : i32 to index
    %get3A_794 = arith.constant 96 : index
    %get3A_795 = tpu.vector_load %arg4[%get3A_793, %get3A_794] {strides = array<i32>} : memref<8x256xi32, #tpu.memory_space<vmem>>, vector<16xi32>,
    %shift_right_arithmetic3A_796 = arith.constant 5 : i32
    %shift_right_arithmetic3A_797 = vector.broadcast %shift_right_arithmetic3A_796 : i32 to vector<16xi32>
    %shift_right_arithmetic3A_798 = arith.shrsi %get3A_795, %shift_right_arithmetic3A_797 : vector<16xi32>
    %and3A_799 = arith.constant 31 : i32
    %and3A_800 = vector.broadcast %and3A_799 : i32 to vector<16xi32>
    %and3A_801 = arith.andi %get3A_795, %and3A_800 : vector<16xi32>
    tpu.vector_store_idx %arg5[%shift_right_arithmetic3A_798, %and3A_801], %broadcast_in_dim3A_3 : memref<32x32xi32, #tpu.memory_space<vmem>>[vector<16xi32>, vector<16xi32>], vector<16xi32>,
    %get3A_802 = arith.index_cast %select_n3A_482 : i32 to index
    %get3A_803 = arith.constant 112 : index
    %get3A_804 = tpu.vector_load %arg4[%get3A_802, %get3A_803] {strides = array<i32>} : memref<8x256xi32, #tpu.memory_space<vmem>>, vector<16xi32>,
    %shift_right_arithmetic3A_805 = arith.constant 5 : i32
    %shift_right_arithmetic3A_806 = vector.broadcast %shift_right_arithmetic3A_805 : i32 to vector<16xi32>
    %shift_right_arithmetic3A_807 = arith.shrsi %get3A_804, %shift_right_arithmetic3A_806 : vector<16xi32>
    %and3A_808 = arith.constant 31 : i32
    %and3A_809 = vector.broadcast %and3A_808 : i32 to vector<16xi32>
    %and3A_810 = arith.andi %get3A_804, %and3A_809 : vector<16xi32>
    tpu.vector_store_idx %arg5[%shift_right_arithmetic3A_807, %and3A_810], %broadcast_in_dim3A_3 : memref<32x32xi32, #tpu.memory_space<vmem>>[vector<16xi32>, vector<16xi32>], vector<16xi32>,
    %get3A_811 = arith.index_cast %select_n3A_482 : i32 to index
    %get3A_812 = arith.constant 128 : index
    %get3A_813 = tpu.vector_load %arg4[%get3A_811, %get3A_812] {strides = array<i32>} : memref<8x256xi32, #tpu.memory_space<vmem>>, vector<16xi32>,
    %shift_right_arithmetic3A_814 = arith.constant 5 : i32
    %shift_right_arithmetic3A_815 = vector.broadcast %shift_right_arithmetic3A_814 : i32 to vector<16xi32>
    %shift_right_arithmetic3A_816 = arith.shrsi %get3A_813, %shift_right_arithmetic3A_815 : vector<16xi32>
    %and3A_817 = arith.constant 31 : i32
    %and3A_818 = vector.broadcast %and3A_817 : i32 to vector<16xi32>
    %and3A_819 = arith.andi %get3A_813, %and3A_818 : vector<16xi32>
    tpu.vector_store_idx %arg5[%shift_right_arithmetic3A_816, %and3A_819], %broadcast_in_dim3A_3 : memref<32x32xi32, #tpu.memory_space<vmem>>[vector<16xi32>, vector<16xi32>], vector<16xi32>,
    %get3A_820 = arith.index_cast %select_n3A_482 : i32 to index
    %get3A_821 = arith.constant 144 : index
    %get3A_822 = tpu.vector_load %arg4[%get3A_820, %get3A_821] {strides = array<i32>} : memref<8x256xi32, #tpu.memory_space<vmem>>, vector<16xi32>,
    %shift_right_arithmetic3A_823 = arith.constant 5 : i32
    %shift_right_arithmetic3A_824 = vector.broadcast %shift_right_arithmetic3A_823 : i32 to vector<16xi32>
    %shift_right_arithmetic3A_825 = arith.shrsi %get3A_822, %shift_right_arithmetic3A_824 : vector<16xi32>
    %and3A_826 = arith.constant 31 : i32
    %and3A_827 = vector.broadcast %and3A_826 : i32 to vector<16xi32>
    %and3A_828 = arith.andi %get3A_822, %and3A_827 : vector<16xi32>
    tpu.vector_store_idx %arg5[%shift_right_arithmetic3A_825, %and3A_828], %broadcast_in_dim3A_3 : memref<32x32xi32, #tpu.memory_space<vmem>>[vector<16xi32>, vector<16xi32>], vector<16xi32>,
    %get3A_829 = arith.index_cast %select_n3A_482 : i32 to index
    %get3A_830 = arith.constant 160 : index
    %get3A_831 = tpu.vector_load %arg4[%get3A_829, %get3A_830] {strides = array<i32>} : memref<8x256xi32, #tpu.memory_space<vmem>>, vector<16xi32>,
    %shift_right_arithmetic3A_832 = arith.constant 5 : i32
    %shift_right_arithmetic3A_833 = vector.broadcast %shift_right_arithmetic3A_832 : i32 to vector<16xi32>
    %shift_right_arithmetic3A_834 = arith.shrsi %get3A_831, %shift_right_arithmetic3A_833 : vector<16xi32>
    %and3A_835 = arith.constant 31 : i32
    %and3A_836 = vector.broadcast %and3A_835 : i32 to vector<16xi32>
    %and3A_837 = arith.andi %get3A_831, %and3A_836 : vector<16xi32>
    tpu.vector_store_idx %arg5[%shift_right_arithmetic3A_834, %and3A_837], %broadcast_in_dim3A_3 : memref<32x32xi32, #tpu.memory_space<vmem>>[vector<16xi32>, vector<16xi32>], vector<16xi32>,
    %get3A_838 = arith.index_cast %select_n3A_482 : i32 to index
    %get3A_839 = arith.constant 176 : index
    %get3A_840 = tpu.vector_load %arg4[%get3A_838, %get3A_839] {strides = array<i32>} : memref<8x256xi32, #tpu.memory_space<vmem>>, vector<16xi32>,
    %shift_right_arithmetic3A_841 = arith.constant 5 : i32
    %shift_right_arithmetic3A_842 = vector.broadcast %shift_right_arithmetic3A_841 : i32 to vector<16xi32>
    %shift_right_arithmetic3A_843 = arith.shrsi %get3A_840, %shift_right_arithmetic3A_842 : vector<16xi32>
    %and3A_844 = arith.constant 31 : i32
    %and3A_845 = vector.broadcast %and3A_844 : i32 to vector<16xi32>
    %and3A_846 = arith.andi %get3A_840, %and3A_845 : vector<16xi32>
    tpu.vector_store_idx %arg5[%shift_right_arithmetic3A_843, %and3A_846], %broadcast_in_dim3A_3 : memref<32x32xi32, #tpu.memory_space<vmem>>[vector<16xi32>, vector<16xi32>], vector<16xi32>,
    %get3A_847 = arith.index_cast %select_n3A_482 : i32 to index
    %get3A_848 = arith.constant 192 : index
    %get3A_849 = tpu.vector_load %arg4[%get3A_847, %get3A_848] {strides = array<i32>} : memref<8x256xi32, #tpu.memory_space<vmem>>, vector<16xi32>,
    %shift_right_arithmetic3A_850 = arith.constant 5 : i32
    %shift_right_arithmetic3A_851 = vector.broadcast %shift_right_arithmetic3A_850 : i32 to vector<16xi32>
    %shift_right_arithmetic3A_852 = arith.shrsi %get3A_849, %shift_right_arithmetic3A_851 : vector<16xi32>
    %and3A_853 = arith.constant 31 : i32
    %and3A_854 = vector.broadcast %and3A_853 : i32 to vector<16xi32>
    %and3A_855 = arith.andi %get3A_849, %and3A_854 : vector<16xi32>
    tpu.vector_store_idx %arg5[%shift_right_arithmetic3A_852, %and3A_855], %broadcast_in_dim3A_3 : memref<32x32xi32, #tpu.memory_space<vmem>>[vector<16xi32>, vector<16xi32>], vector<16xi32>,
    %get3A_856 = arith.index_cast %select_n3A_482 : i32 to index
    %get3A_857 = arith.constant 208 : index
    %get3A_858 = tpu.vector_load %arg4[%get3A_856, %get3A_857] {strides = array<i32>} : memref<8x256xi32, #tpu.memory_space<vmem>>, vector<16xi32>,
    %shift_right_arithmetic3A_859 = arith.constant 5 : i32
    %shift_right_arithmetic3A_860 = vector.broadcast %shift_right_arithmetic3A_859 : i32 to vector<16xi32>
    %shift_right_arithmetic3A_861 = arith.shrsi %get3A_858, %shift_right_arithmetic3A_860 : vector<16xi32>
    %and3A_862 = arith.constant 31 : i32
    %and3A_863 = vector.broadcast %and3A_862 : i32 to vector<16xi32>
    %and3A_864 = arith.andi %get3A_858, %and3A_863 : vector<16xi32>
    tpu.vector_store_idx %arg5[%shift_right_arithmetic3A_861, %and3A_864], %broadcast_in_dim3A_3 : memref<32x32xi32, #tpu.memory_space<vmem>>[vector<16xi32>, vector<16xi32>], vector<16xi32>,
    %get3A_865 = arith.index_cast %select_n3A_482 : i32 to index
    %get3A_866 = arith.constant 224 : index
    %get3A_867 = tpu.vector_load %arg4[%get3A_865, %get3A_866] {strides = array<i32>} : memref<8x256xi32, #tpu.memory_space<vmem>>, vector<16xi32>,
    %shift_right_arithmetic3A_868 = arith.constant 5 : i32
    %shift_right_arithmetic3A_869 = vector.broadcast %shift_right_arithmetic3A_868 : i32 to vector<16xi32>
    %shift_right_arithmetic3A_870 = arith.shrsi %get3A_867, %shift_right_arithmetic3A_869 : vector<16xi32>
    %and3A_871 = arith.constant 31 : i32
    %and3A_872 = vector.broadcast %and3A_871 : i32 to vector<16xi32>
    %and3A_873 = arith.andi %get3A_867, %and3A_872 : vector<16xi32>
    tpu.vector_store_idx %arg5[%shift_right_arithmetic3A_870, %and3A_873], %broadcast_in_dim3A_3 : memref<32x32xi32, #tpu.memory_space<vmem>>[vector<16xi32>, vector<16xi32>], vector<16xi32>,
    %get3A_874 = arith.index_cast %select_n3A_482 : i32 to index
    %get3A_875 = arith.constant 240 : index
    %get3A_876 = tpu.vector_load %arg4[%get3A_874, %get3A_875] {strides = array<i32>} : memref<8x256xi32, #tpu.memory_space<vmem>>, vector<16xi32>,
    %shift_right_arithmetic3A_877 = arith.constant 5 : i32
    %shift_right_arithmetic3A_878 = vector.broadcast %shift_right_arithmetic3A_877 : i32 to vector<16xi32>
    %shift_right_arithmetic3A_879 = arith.shrsi %get3A_876, %shift_right_arithmetic3A_878 : vector<16xi32>
    %and3A_880 = arith.constant 31 : i32
    %and3A_881 = vector.broadcast %and3A_880 : i32 to vector<16xi32>
    %and3A_882 = arith.andi %get3A_876, %and3A_881 : vector<16xi32>
    tpu.vector_store_idx %arg5[%shift_right_arithmetic3A_879, %and3A_882], %broadcast_in_dim3A_3 : memref<32x32xi32, #tpu.memory_space<vmem>>[vector<16xi32>, vector<16xi32>], vector<16xi32>,
    "tpu.region"() ({
      %run_scoped3A = tpu.sem_alloc : memref<!tpu.dma_semaphore, #tpu.memory_space<semaphore_mem>>
      %dma_start3A = arith.constant 0 : i32
      %dma_start3A_883 = arith.constant 0 : i32
      %dma_start3A_884 = tpu.memref_slice %arg3[%add3A_440, %dma_start3A, %dma_start3A_883] : memref<64x32x32xi32, #tpu.memory_space<hbm>> -> memref<1x32x32xi32, #tpu.memory_space<hbm>>
      %dma_start3A_885 = tpu.memref_squeeze %dma_start3A_884 : memref<1x32x32xi32, #tpu.memory_space<hbm>> -> memref<32x32xi32, #tpu.memory_space<hbm>>
      %dma_start3A_886 = arith.constant 0 : i32
      %dma_start3A_887 = arith.constant 0 : i32
      %dma_start3A_888 = tpu.memref_slice %arg3[%add3A_440, %dma_start3A_886, %dma_start3A_887] : memref<64x32x32xi32, #tpu.memory_space<hbm>> -> memref<1x32x32xi32, #tpu.memory_space<hbm>>
      %dma_start3A_889 = tpu.memref_squeeze %dma_start3A_888 : memref<1x32x32xi32, #tpu.memory_space<hbm>> -> memref<32x32xi32, #tpu.memory_space<hbm>>
      tpu.enqueue_dma source(%arg5 : memref<32x32xi32, #tpu.memory_space<vmem>>) target(%dma_start3A_889 : memref<32x32xi32, #tpu.memory_space<hbm>>) target_semaphore(%run_scoped3A : memref<!tpu.dma_semaphore, #tpu.memory_space<semaphore_mem>>)
      %dma_wait3A = arith.constant 0 : i32
      %dma_wait3A_890 = arith.constant 0 : i32
      %dma_wait3A_891 = tpu.memref_slice %arg3[%add3A_440, %dma_wait3A, %dma_wait3A_890] : memref<64x32x32xi32, #tpu.memory_space<hbm>> -> memref<1x32x32xi32, #tpu.memory_space<hbm>>
      %dma_wait3A_892 = tpu.memref_squeeze %dma_wait3A_891 : memref<1x32x32xi32, #tpu.memory_space<hbm>> -> memref<32x32xi32, #tpu.memory_space<hbm>>
      %dma_wait3A_893 = arith.constant 0 : i32
      %dma_wait3A_894 = arith.constant 0 : i32
      %dma_wait3A_895 = tpu.memref_slice %arg3[%add3A_440, %dma_wait3A_893, %dma_wait3A_894] : memref<64x32x32xi32, #tpu.memory_space<hbm>> -> memref<1x32x32xi32, #tpu.memory_space<hbm>>
      %dma_wait3A_896 = tpu.memref_squeeze %dma_wait3A_895 : memref<1x32x32xi32, #tpu.memory_space<hbm>> -> memref<32x32xi32, #tpu.memory_space<hbm>>
      tpu.wait_dma2 semaphore(%run_scoped3A : memref<!tpu.dma_semaphore, #tpu.memory_space<semaphore_mem>>) src(%arg5 : memref<32x32xi32, #tpu.memory_space<vmem>>) dst(%dma_wait3A_896 : memref<32x32xi32, #tpu.memory_space<hbm>>)
      tpu.yield
    }) : () -> ()
    return
  }
}

module attributes {stable_mosaic.version = 14 : i64} {
  func.func @_tc_select_body(%arg0: i32, %arg1: memref<1x32x32xi32, #tpu.memory_space<vmem>>, %arg2: memref<1x512x1536xf32, #tpu.memory_space<vmem>>, %arg3: memref<512x1536xf32, #tpu.memory_space<vmem>>, %arg4: memref<512x32xbf16, #tpu.memory_space<vmem>>, %arg5: memref<32x1536xbf16, #tpu.memory_space<vmem>>, %arg6: memref<1x512x1536xf32, #tpu.memory_space<vmem>>) attributes {dimension_semantics = [#tpu.dimension_semantics<arbitrary>], iteration_bounds = array<i64: 64>, scalar_prefetch = 0 : i64, scratch_operands = 0 : i64, tpu.core_type = #tpu.core_type<tc>, window_params = [{transform_indices = @transform_0, window_bounds = array<i64: 1, 32, 32>}, {transform_indices = @transform_1, window_bounds = array<i64: 1, 512, 1536>}, {pipeline_mode = #tpu.pipeline_mode<synchronous>, transform_indices = @transform_2, window_bounds = array<i64: 512, 1536>}, {pipeline_mode = #tpu.pipeline_mode<synchronous>, transform_indices = @transform_3, window_bounds = array<i64: 512, 32>}, {pipeline_mode = #tpu.pipeline_mode<synchronous>, transform_indices = @transform_4, window_bounds = array<i64: 32, 1536>}, {transform_indices = @transform_5, window_bounds = array<i64: 1, 512, 1536>}]} {
    %get3A = arith.constant 0 : index
    %get3A_0 = arith.constant 0 : index
    %get3A_1 = arith.constant 0 : index
    %get3A_2 = vector.load %arg1[%get3A, %get3A_0, %get3A_1] : memref<1x32x32xi32, #tpu.memory_space<vmem>>, vector<1x32x32xi32>
    %get3A_3 = vector.shape_cast %get3A_2 : vector<1x32x32xi32> to vector<32x32xi32>
    %convert_element_type3A = arith.sitofp %get3A_3 : vector<32x32xi32> to vector<32x32xbf16>
    %get3A_4 = arith.constant 0 : index
    %get3A_5 = arith.constant 0 : index
    %get3A_6 = vector.load %arg4[%get3A_4, %get3A_5] : memref<512x32xbf16, #tpu.memory_space<vmem>>, vector<512x32xbf16>
    %dot_general3A = arith.constant dense<0.000000e+00> : vector<512x32xf32>
    %dot_general3A_7 = tpu.matmul %get3A_6, %convert_element_type3A, %dot_general3A {dimension_numbers = #tpu.dot_dimension_numbers<[1], [0], [0], [1], [0, 0, 1, 1], [], []>, transpose_lhs_hint = false} : vector<512x32xbf16>, vector<32x32xbf16>, vector<512x32xf32> -> vector<512x32xf32>
    %convert_element_type3A_8 = arith.truncf %dot_general3A_7 : vector<512x32xf32> to vector<512x32xbf16>
    %get3A_9 = arith.constant 0 : index
    %get3A_10 = arith.constant 0 : index
    %get3A_11 = vector.load %arg5[%get3A_9, %get3A_10] : memref<32x1536xbf16, #tpu.memory_space<vmem>>, vector<32x1536xbf16>
    %dot_general3A_12 = arith.constant dense<0.000000e+00> : vector<512x1536xf32>
    %dot_general3A_13 = tpu.matmul %convert_element_type3A_8, %get3A_11, %dot_general3A_12 {dimension_numbers = #tpu.dot_dimension_numbers<[1], [0], [0], [1], [0, 0, 1, 1], [], []>, transpose_lhs_hint = false} : vector<512x32xbf16>, vector<32x1536xbf16>, vector<512x1536xf32> -> vector<512x1536xf32>
    %gt3A = arith.constant 5.000000e-01 : f32
    %gt3A_14 = vector.broadcast %gt3A : f32 to vector<512x1536xf32>
    %gt3A_15 = arith.cmpf ogt, %dot_general3A_13, %gt3A_14 : vector<512x1536xf32>
    %get3A_16 = arith.constant 0 : index
    %get3A_17 = arith.constant 0 : index
    %get3A_18 = arith.constant 0 : index
    %get3A_19 = vector.load %arg2[%get3A_16, %get3A_17, %get3A_18] : memref<1x512x1536xf32, #tpu.memory_space<vmem>>, vector<1x512x1536xf32>
    %get3A_20 = vector.shape_cast %get3A_19 : vector<1x512x1536xf32> to vector<512x1536xf32>
    %get3A_21 = arith.constant 0 : index
    %get3A_22 = arith.constant 0 : index
    %get3A_23 = vector.load %arg3[%get3A_21, %get3A_22] : memref<512x1536xf32, #tpu.memory_space<vmem>>, vector<512x1536xf32>
    %select_n3A = arith.select %gt3A_15, %get3A_20, %get3A_23 : vector<512x1536xi1>, vector<512x1536xf32>
    %swap3A = arith.constant 0 : index
    %swap3A_24 = arith.constant 0 : index
    %swap3A_25 = arith.constant 0 : index
    %swap3A_26 = vector.load %arg6[%swap3A, %swap3A_24, %swap3A_25] : memref<1x512x1536xf32, #tpu.memory_space<vmem>>, vector<1x512x1536xf32>
    %swap3A_27 = vector.shape_cast %swap3A_26 : vector<1x512x1536xf32> to vector<512x1536xf32>
    %swap3A_28 = vector.shape_cast %select_n3A : vector<512x1536xf32> to vector<1x512x1536xf32>
    tpu.vector_store %arg6[%swap3A, %swap3A_24, %swap3A_25], %swap3A_28 {strides = array<i32>} : memref<1x512x1536xf32, #tpu.memory_space<vmem>>, vector<1x512x1536xf32>,
    return
  }
  func.func @transform_0(%arg0: i32) -> (i32, i32, i32) {
    %c0_i32 = arith.constant 0 : i32
    %c0_i32_0 = arith.constant 0 : i32
    %c0_i32_1 = arith.constant 0 : i32
    return %arg0, %c0_i32, %c0_i32_0 : i32, i32, i32
  }
  func.func @transform_1(%arg0: i32) -> (i32, i32, i32) {
    %c0_i32 = arith.constant 0 : i32
    %c0_i32_0 = arith.constant 0 : i32
    %c0_i32_1 = arith.constant 0 : i32
    return %arg0, %c0_i32, %c0_i32_0 : i32, i32, i32
  }
  func.func @transform_2(%arg0: i32) -> (i32, i32) {
    %c0_i32 = arith.constant 0 : i32
    %c0_i32_0 = arith.constant 0 : i32
    %c0_i32_1 = arith.constant 0 : i32
    return %c0_i32, %c0_i32_0 : i32, i32
  }
  func.func @transform_3(%arg0: i32) -> (i32, i32) {
    %c0_i32 = arith.constant 0 : i32
    %c0_i32_0 = arith.constant 0 : i32
    %c0_i32_1 = arith.constant 0 : i32
    return %c0_i32, %c0_i32_0 : i32, i32
  }
  func.func @transform_4(%arg0: i32) -> (i32, i32) {
    %c0_i32 = arith.constant 0 : i32
    %c0_i32_0 = arith.constant 0 : i32
    %c0_i32_1 = arith.constant 0 : i32
    return %c0_i32, %c0_i32_0 : i32, i32
  }
  func.func @transform_5(%arg0: i32) -> (i32, i32, i32) {
    %c0_i32 = arith.constant 0 : i32
    %c0_i32_0 = arith.constant 0 : i32
    %c0_i32_1 = arith.constant 0 : i32
    return %arg0, %c0_i32, %c0_i32_0 : i32, i32, i32
  }
}

</mosaic_0001>

<sc_bundles>
// kernel: kernel.4.cloned.1.call-start
scs
__scs_entry_jumppad:
0x0: {  	(pc) =	sbr.rel $0x88, $3  }
0x1: {  	(tag) =	ssettag $0x0;
	lr =	simm.s32 $0x1  }
0x2: {  	[smem:$0x3F9E] =	sst lr;
	_ =	strace $0xD0000000  }
0x3: {  	_ = 	snop  }
0x4: {  	_ = 	snop  }
0x5: {  	_ = 	snop  }
0x6: {  	_ = 	snop  }
0x7: {  	_ = 	snop  }
__scs_overlays_trampoline_lowered:
0x8: {  	[smem:$0x3FAD] =	sst s0  }
0x9: {  	[smem:$0x3FAE] =	sst s1  }
0xa: {  	[smem:$0x3FAF] =	sst s2  }
0xb: {  	[smem:$0x3FB0] =	sst s3  }
0xc: {  	[smem:$0x3FB1] =	sst s4  }
0xd: {  	[smem:$0x3FB2] =	sst s5  }
0xe: {  	[smem:$0x3FB3] =	sst s6  }
0xf: {  	[smem:$0x3FB4] =	sst s7  }
0x10: {  	[smem:$0x3FB5] =	sst s8  }
0x11: {  	[smem:$0x3FB6] =	sst s9;
	s0 =	simm.s32 @!p0 $0x0  }
0x12: {  	s1 =	sld [smem:$0x3F9C];
	s0 =	simm.s32 @p0 $0x1  }
0x13: {  	[smem:$0x3FB7] =	sst s0;
	s0 =	simm.s32 @!p1 $0x0  }
0x14: {  	s2 =	sld [smem:$0x3F9B];
	s0 =	simm.s32 @p1 $0x1  }
0x15: {  	[smem:$0x3FB8] =	sst s0;
	s0 =	simm.s32 @!p2 $0x0  }
0x16: {  	s3 =	sld [smem:$0x3FDB];
	s0 =	simm.s32 @p2 $0x1  }
0x17: {  	s4 =	simm.s32 $0x1BF5;
	[smem:$0x3FBA] =	sst s0  }
0x18: {  	s0 =	sld [smem:$0x3F9D];
	_ =	swait.ge [sflag:s4], $0x0  }
0x19: {  	s7 =	sld [smem:$0x3F9E]  }
0x1a: {  	s8 =	sadd.s32 $0xFFFFE003, lr  }
0x1b: {  	s9 =	sadd.s32 $0xFFFFFEF7, lr;
	s5 =	simm.s32 $0xFFFFFFFF;
	p2 =	slt.u32 s8, $0xFFFFF086  }
0x1c: {  	p1 =	slt.u32 s9, $0xF7A;
	s5 =	simm.s32 @!p2 $0x0  }
0x1d: {  	s5 =	simm.s32 @p1 $0x1;
	p0 =	seq.s32 s7, s2  }
0x1e: {  	s7 =	smul.u32 @!p0 $0xF7A, s2;
	p2 =	seq.s32 @!p0 s5, $0x0  }
0x1f: {  	s9 =	smul.u32 $0xF7A, s1;
	s8 =	simm.s32 @!p0 $0x1BF5;
	p2 =	por !p2, p0  }
0x20: {  	[sflag:s8] =	ssyncset.s32 @!p0 $0xFFFFF086;
	s6 =	sadd.s32 @!p0 s3, s7;
	s7 =	simm.s32 @!p0 $0x108  }
0x21: {  	s3 =	sadd.s32 s3, s9;
	s6 =	sadd.s32 @!p0 $0x88, s6;
	s7 =	simm.s32 @p2 $0x1082  }
0x22: {  	[simem:s7], [sflag:s8] =	dma.local @!p0 [hbm:s6], $0xF7A  }
0x23: {  	s9 =	sor.u32 $0xD0000000, s2;
	s6 =	simm.s32 $0x108;
	_ =	swait.ge @!p0 [sflag:s8], $0x0  }
0x24: {  	s3 =	sadd.s32 $0x88, s3;
	s6 =	simm.s32 @!p1 $0x1082;
	[sflag:s4] =	ssyncset.s32 $0xFFFFF086  }
0x25: {  	[simem:s6], [sflag:s4] =	dma.local [hbm:s3], $0xF7A  }
0x26: {  	[smem:$0x3F9E] =	sst s1;
	(tag) =	ssettag s2;
	_ =	strace s9  }
0x27: {  	s1 =	sld [smem:$0x3FAE]  }
0x28: {  	s2 =	sld [smem:$0x3FAF]  }
0x29: {  	s4 =	sld [smem:$0x3FB1]  }
0x2a: {  	p0 =	seq.s32 s5, $0x0;
	s5 =	sld [smem:$0x3FB2]  }
0x2b: {  	s6 =	sld [smem:$0x3FB3]  }
0x2c: {  	s7 =	sld [smem:$0x3FB4]  }
0x2d: {  	s3 =	simm.s32 $0x108;
	s8 =	sld [smem:$0x3FB5]  }
0x2e: {  	s3 =	simm.s32 @!p0 $0x1082;
	s9 =	sld [smem:$0x3FB6]  }
0x2f: {  	lr =	sadd.s32 s0, s3;
	s0 =	sld [smem:$0x3FAD]  }
0x30: {  	s3 =	sld [smem:$0x3FB0]  }
0x31: {  	[smem:$0x3FB9] =	sst s10  }
0x32: {  	s10 =	sld [smem:$0x3FB7];
	_ =	sdelay $0x3  }
0x33: {  	p0 =	seq.s32 s10, $0x1;
	s10 =	sld [smem:$0x3FB9];
	_ =	sdelay $0x3  }
0x34: {  	[smem:$0x3FB9] =	sst s10  }
0x35: {  	s10 =	sld [smem:$0x3FB8];
	_ =	sdelay $0x3  }
0x36: {  	p1 =	seq.s32 s10, $0x1;
	s10 =	sld [smem:$0x3FB9];
	_ =	sdelay $0x3  }
0x37: {  	[smem:$0x3FB9] =	sst s10  }
0x38: {  	s10 =	sld [smem:$0x3FBA]  }
0x39: {  	_ = 	snop;
	(pc) =	sbr.ind lr, $3  }
0x3a: {  	_ = 	snop  }
0x3b: {  	_ = 	snop  }
0x3c: {  	p2 =	seq.s32 s10, $0x1;
	s10 =	sld [smem:$0x3FB9]  }
0x3d: {  	_ =	shalt  }
0x3e: {  	_ =	shalt  }
0x3f: {  	_ =	shalt  }
0x40: {  	_ =	shalt  }
0x41: {  	_ =	shalt  }
0x42: {  	_ =	shalt  }
0x43: {  	_ =	shalt  }
0x44: {  	_ =	shalt  }
0x45: {  	_ =	shalt  }
0x46: {  	_ =	shalt  }
0x47: {  	_ =	shalt  }
0x48: {  	_ =	shalt  }
0x49: {  	_ =	shalt  }
0x4a: {  	_ =	shalt  }
0x4b: {  	_ =	shalt  }
0x4c: {  	_ =	shalt  }
0x4d: {  	_ =	shalt  }
0x4e: {  	_ =	shalt  }
0x4f: {  	_ =	shalt  }
0x50: {  	_ =	shalt  }
0x51: {  	_ =	shalt  }
0x52: {  	_ =	shalt  }
0x53: {  	_ =	shalt  }
0x54: {  	_ =	shalt  }
0x55: {  	_ =	shalt  }
0x56: {  	_ =	shalt  }
0x57: {  	_ =	shalt  }
0x58: {  	_ =	shalt  }
0x59: {  	_ =	shalt  }
0x5a: {  	_ =	shalt  }
0x5b: {  	_ =	shalt  }
0x5c: {  	_ =	shalt  }
0x5d: {  	_ =	shalt  }
0x5e: {  	_ =	shalt  }
0x5f: {  	_ =	shalt  }
0x60: {  	_ =	shalt  }
0x61: {  	_ =	shalt  }
0x62: {  	_ =	shalt  }
0x63: {  	_ =	shalt  }
0x64: {  	_ =	shalt  }
0x65: {  	_ =	shalt  }
0x66: {  	_ =	shalt  }
0x67: {  	_ =	shalt  }
0x68: {  	_ =	shalt  }
0x69: {  	_ =	shalt  }
0x6a: {  	_ =	shalt  }
0x6b: {  	_ =	shalt  }
0x6c: {  	_ =	shalt  }
0x6d: {  	_ =	shalt  }
0x6e: {  	_ =	shalt  }
0x6f: {  	_ =	shalt  }
0x70: {  	_ =	shalt  }
0x71: {  	_ =	shalt  }
0x72: {  	_ =	shalt  }
0x73: {  	_ =	shalt  }
0x74: {  	_ =	shalt  }
0x75: {  	_ =	shalt  }
0x76: {  	_ =	shalt  }
0x77: {  	_ =	shalt  }
0x78: {  	_ =	shalt  }
0x79: {  	_ =	shalt  }
0x7a: {  	_ =	shalt  }
0x7b: {  	_ =	shalt  }
0x7c: {  	_ =	shalt  }
0x7d: {  	_ =	shalt  }
0x7e: {  	_ =	shalt  }
0x7f: {  	_ =	shalt  }
0x80: {  	_ =	shalt  }
0x81: {  	_ =	shalt  }
0x82: {  	_ =	shalt  }
0x83: {  	_ =	shalt  }
0x84: {  	_ =	shalt  }
0x85: {  	_ =	shalt  }
0x86: {  	_ =	shalt  }
0x87: {  	_ =	shalt  }
.Lfunc_end0:
.L_simem_size_0:
called_computation.1_lowered:
.L_overlay_start_0:
0x88: {  	s2 =	sld [smem:$0x3FD9]  }
0x89: {  	s3 =	sld [smem:$0x3FFE];
	_ =	sdelay $0x1  }
0x8a: {  	s1 =	srdreg.scid  }
0x8b: {  	s0 =	sand.u32 $0x1, s1  }
0x8c: {  	s17 =	sshll.u32 s0, $0xA;
	s2 =	sadd.s32 s3, s2  }
0x8d: {  	s2 =	sadd.s32 s2, s17  }
0x8e: {  	[smem:$0x3FC5] =	sst s2  }
0x8f: {  	_ = 	snop  }
0x90: {  	s2 =	sld [smem:$0x3FC7];
	(tm) =	ssettm $0x1  }
0x91: {  	s18 =	sld [smem:$0x3FFB];
	_ =	sdelay $0x3  }
0x92: {  	_ =	strace s18  }
0x93: {  	s3 =	sld [smem:$0x3FFC];
	_ =	sdelay $0x3  }
0x94: {  	_ =	strace s3  }
0x95: {  	s3 =	sld [smem:$0x3FFD];
	_ =	sdelay $0x3  }
0x96: {  	_ =	strace s3  }
0x97: {  	_ =	strace $0x8FFFFFFF  }
0x98: {  	s19 =	sld [smem:$0x3FDB];
	_ =	sdelay $0x1  }
0x99: {  	s4 =	simm.s32 $_scs_section_size  }
0x9a: {  	s5 =	simm.s32 $_size__tile_overlayer_lowered;
	s6 =	simm.s32 $_tile_overlayer_lowered  }
0x9b: {  	s22 =	simm.s32 $0x1BFF;
	s21 =	sshll.u32 s6, $0x1;
	s3 =	sadd.s32 s4, s19  }
0x9c: {  	s7 =	simm.s32 $0x0;
	s20 =	sshll.u32 s5, $0x1;
	s5 =	sadd.s32 s21, s3  }
0x9d: {  	[timem:s7], [sflag:s22] =	dma.local [hbm:s5], s20  }
0x9e: {  	_ =	swait.ge [sflag:s22], s20  }
0x9f: {  	s4 =	ssub.s32 $0x0, s20;
	[sflag:s22] =	ssyncset.done $0x0  }
0xa0: {  	[sflag:s22] =	ssyncadd.s32 s4;
	_ =	sdelay $0x1  }
0xa1: {  	s23 =	simm.s32 $0x1B8B  }
0xa2: {  	_ =	swait.ge [sflag:s23], $0x1  }
0xa3: {  	[sflag:s23] =	ssyncset.done $0x0  }
0xa4: {  	s25 =	simm.s32 $0x1B8E;
	s24 =	sld [smem:$0x3FFE];
	[sflag:s23] =	ssyncadd.s32 $0xFFFFFFFF  }
0xa5: {  	s26 =	simm.s32 $execute0_lowered;
	[smem:$0x3FD2] =	sst s25  }
0xa6: {  	s5 =	sshll.u32 s26, $0x1;
	_ =	strace $0x80000046;
	[dreg:$0x1] =	wrdreg $0xFFFFFFFF  }
0xa7: {  	s28 =	simm.s32 $_size_execute0_lowered;
	s3 =	sadd.s32 s3, s5;
	[dreg:$0x0] =	wrdreg $0x0  }
0xa8: {  	s5 =	sshll.u32 s28, $0x1;
	[dreg:$0x2] =	wrdreg s3  }
0xa9: {  	[dreg:$0x3] =	wrdreg s5  }
0xaa: {  	[dreg:$0x4] =	wrdreg $0xC0  }
0xab: {  	_ =	task [dreg:s7], $0x5FFFF  }
0xac: {  	[dreg:$0x1] =	wrdreg $0xFFFFFFFF  }
0xad: {  	[dreg:$0x0] =	wrdreg $0x60  }
0xae: {  	[dreg:$0x2] =	wrdreg s2  }
0xaf: {  	[dreg:$0x3] =	wrdreg s24  }
0xb0: {  	[dreg:$0x4] =	wrdreg $0x9  }
0xb1: {  	_ =	task.clear_ibuf [dreg:s7], $0x5FFFF;
	_ =	strace $0x90000046  }
0xb2: {  	s29 =	simm.s32 $0x9;
	_ =	strace $0x80000048  }
0xb3: {  	_ =	swait.ge [sflag:s29], $0x1  }
0xb4: {  	[sflag:s29] =	ssyncadd.s32 $0xFFFFFFFF  }
0xb5: {  	_ =	strace $0x90000048  }
0xb6: {  	_ =	sfence  }
0xb7: {  	s30 =	sld [smem:$0x0];
	_ =	sdelay $0x2  }
0xb8: {  	s31 =	sshll.u32 s1, $0xD;
	s1 =	sshrl.u32 s1, $0x2  }
0xb9: {  	s3 =	sand.u32 $0x4000, s31;
	s1 =	sadd.s32 s1, s30  }
0xba: {  	s0 =	sor.u32 s3, s0;
	s1 =	sshll.u32 s1, $0x11  }
0xbb: {  	s0 =	sor.u32 s1, s0  }
0xbc: {  	s0 =	sadd.s32 $0x8F2B, s0  }
0xbd: {  	[sflag:s0] =	ssyncadd.remote.s32 $0x1  }
0xbe: {  	_ =	sfence.sel $0xFFFF  }
0xbf: {  	[dreg:$0x0] =	wrdreg $0xFFFFFFFF;
	(pc) =	sbr.abs _section_cstart, $3  }
0xc0: {  	[dreg:$0x1] =	wrdreg $0xFFFFFFFF  }
0xc1: {  	_ =	task.clear_ibuf [dreg:s7], $0x2FFFF;
	_ =	strace $0x9FFFFFFF  }
0xc2: {  	(tm) =	ssettm $0x7FFFFFFF  }
0xc3: {  	_ =	shalt  }
tec
execute0_lowered:
.L_overlay_start_1:
0x0: {  	(tag) =	ssettag $0x1  }
0x1: {  	s3 =	rddreg [dreg:$0x0]  }
0x2: {  	s4 =	rddreg [dreg:$0x1];
	s2 =	srdreg.scid  }
0x3: {  	s0 =	rddreg [dreg:$0x2];
	s1 =	stileid.u32;
	s5 =	sand.u32 $0x1, s2  }
0x4: {  	s2 =	simm.s32 $0x0;
	s6 =	sshll.u32 s1, $0x2;
	s9 =	sadd.s32 $0x800, s4  }
0x5: {  	s7 =	sshll.u32 s5, $0x1;
	[smem:$0x7FF] =	sst s2;
	s5 =	ssub.s32 $0x2, s5  }
0x6: {  	s6 =	sor.u32 s7, s6;
	_ =	strace $0x80000047;
	s26 =	sshrl.u32 s5, $0x1  }
0x7: {  	s8 =	sshll.u32 s6, $0x7;
	s10 =	ssub.s32 s5, s26;
	s29 =	sor.u32 $0x1, s6  }
0x8: {  	s6 =	sshll.u32 s6, $0x9;
	s28 =	sor.u32 $0x300, s8;
	s4 =	sand.u32 $0x300, s8  }
0x9: {  	s30 =	sshll.u32 s29, $0x7;
	s31 =	sshll.u32 s29, $0x9;
	s5 =	sadd.s32 s9, s6  }
0xa: {  	s8 =	smax.u32 s10, $0x1;
	s10 =	simm.s32 $0x800;
	s3 =	sadd.s32 s3, s28  }
0xb: {  	v0 =	vimm.s32 $0x0;
	v1 =	vimm.s32 $0x1;
	s6 =	sand.u32 $0x380, s30;
	s7 =	sadd.s32 s9, s31;
	s9 =	simm.s32 $0x1  }
.LBB2_1:
0xc: {  	[tilespmem:s2], [sflag:$0x1] =	stream.linear.gather [hbm4b:s3+s2], $0x800, $0x38;
	[tilespmem:$0x1800] =	vst v63  }
0xd: {  	_ =	swait.ge [sflag:s9], $0x800  }
0xe: {  	[sflag:s9] =	ssyncset.done $0x0  }
0xf: {  	[sflag:s9] =	ssyncadd.s32 $0xFFFFF800  }
0x10: {  	[tilespmem:$0x800] =	vst v0  }
0x11: {  	[tilespmem:$0x810] =	vst v0  }
0x12: {  	[tilespmem:$0x880] =	vst v0  }
0x13: {  	[tilespmem:$0x890] =	vst v0  }
0x14: {  	[tilespmem:$0x900] =	vst v0  }
0x15: {  	[tilespmem:$0x910] =	vst v0  }
0x16: {  	[tilespmem:$0x980] =	vst v0  }
0x17: {  	[tilespmem:$0x990] =	vst v0  }
0x18: {  	[tilespmem:$0xA00] =	vst v0  }
0x19: {  	[tilespmem:$0xA10] =	vst v0  }
0x1a: {  	[tilespmem:$0xA80] =	vst v0  }
0x1b: {  	[tilespmem:$0xA90] =	vst v0  }
0x1c: {  	[tilespmem:$0xB00] =	vst v0  }
0x1d: {  	[tilespmem:$0xB10] =	vst v0  }
0x1e: {  	[tilespmem:$0xB80] =	vst v0  }
0x1f: {  	[tilespmem:$0xB90] =	vst v0  }
0x20: {  	[tilespmem:$0xC00] =	vst v0  }
0x21: {  	[tilespmem:$0xC10] =	vst v0  }
0x22: {  	[tilespmem:$0xC80] =	vst v0  }
0x23: {  	[tilespmem:$0xC90] =	vst v0  }
0x24: {  	[tilespmem:$0xD00] =	vst v0  }
0x25: {  	[tilespmem:$0xD10] =	vst v0  }
0x26: {  	[tilespmem:$0xD80] =	vst v0  }
0x27: {  	[tilespmem:$0xD90] =	vst v0  }
0x28: {  	[tilespmem:$0xE00] =	vst v0  }
0x29: {  	[tilespmem:$0xE10] =	vst v0  }
0x2a: {  	[tilespmem:$0xE80] =	vst v0  }
0x2b: {  	[tilespmem:$0xE90] =	vst v0  }
0x2c: {  	[tilespmem:$0xF00] =	vst v0  }
0x2d: {  	[tilespmem:$0xF10] =	vst v0  }
0x2e: {  	[tilespmem:$0xF80] =	vst v0  }
0x2f: {  	[tilespmem:$0xF90] =	vst v0  }
0x30: {  	[tilespmem:$0x1000] =	vst v0  }
0x31: {  	[tilespmem:$0x1010] =	vst v0  }
0x32: {  	[tilespmem:$0x1080] =	vst v0  }
0x33: {  	[tilespmem:$0x1090] =	vst v0  }
0x34: {  	[tilespmem:$0x1100] =	vst v0  }
0x35: {  	[tilespmem:$0x1110] =	vst v0  }
0x36: {  	[tilespmem:$0x1180] =	vst v0  }
0x37: {  	[tilespmem:$0x1190] =	vst v0  }
0x38: {  	[tilespmem:$0x1200] =	vst v0  }
0x39: {  	[tilespmem:$0x1210] =	vst v0  }
0x3a: {  	[tilespmem:$0x1280] =	vst v0  }
0x3b: {  	[tilespmem:$0x1290] =	vst v0  }
0x3c: {  	[tilespmem:$0x1300] =	vst v0  }
0x3d: {  	[tilespmem:$0x1310] =	vst v0  }
0x3e: {  	[tilespmem:$0x1380] =	vst v0  }
0x3f: {  	[tilespmem:$0x1390] =	vst v0  }
0x40: {  	[tilespmem:$0x1400] =	vst v0  }
0x41: {  	[tilespmem:$0x1410] =	vst v0  }
0x42: {  	[tilespmem:$0x1480] =	vst v0  }
0x43: {  	[tilespmem:$0x1490] =	vst v0  }
0x44: {  	[tilespmem:$0x1500] =	vst v0  }
0x45: {  	[tilespmem:$0x1510] =	vst v0  }
0x46: {  	[tilespmem:$0x1580] =	vst v0  }
0x47: {  	[tilespmem:$0x1590] =	vst v0  }
0x48: {  	[tilespmem:$0x1600] =	vst v0  }
0x49: {  	[tilespmem:$0x1610] =	vst v0  }
0x4a: {  	[tilespmem:$0x1680] =	vst v0  }
0x4b: {  	[tilespmem:$0x1690] =	vst v0  }
0x4c: {  	[tilespmem:$0x1700] =	vst v0  }
0x4d: {  	[tilespmem:$0x1710] =	vst v0  }
0x4e: {  	[tilespmem:$0x1780] =	vst v0  }
0x4f: {  	[tilespmem:$0x1790] =	vst v0  }
0x50: {  	v2 =	vld [tilespmem:s4+$0x0];
	_ =	sdelay $0x4  }
0x51: {  	v3 =	vshll.u32 v2, $0x2  }
0x52: {  	v2 =	vand.u32 $0x1F, v2;
	v3 =	vand.u32 $0xFFFFFF80, v3  }
0x53: {  	v2 =	vor.u32 v2, v3;
	_ =	sdelay $0x4  }
0x54: {  	[tilespmem:v2+s10+$0x0] =	vst.idx.msk $0xffff, v1  }
0x55: {  	v2 =	vld [tilespmem:s4+$0x10];
	_ =	sdelay $0x4  }
0x56: {  	v3 =	vshll.u32 v2, $0x2  }
0x57: {  	v2 =	vand.u32 $0x1F, v2;
	v3 =	vand.u32 $0xFFFFFF80, v3  }
0x58: {  	v2 =	vor.u32 v2, v3;
	_ =	sdelay $0x4  }
0x59: {  	[tilespmem:v2+s10+$0x0] =	vst.idx.msk $0xffff, v1  }
0x5a: {  	v2 =	vld [tilespmem:s4+$0x20];
	_ =	sdelay $0x4  }
0x5b: {  	v3 =	vshll.u32 v2, $0x2  }
0x5c: {  	v2 =	vand.u32 $0x1F, v2;
	v3 =	vand.u32 $0xFFFFFF80, v3  }
0x5d: {  	v2 =	vor.u32 v2, v3;
	_ =	sdelay $0x4  }
0x5e: {  	[tilespmem:v2+s10+$0x0] =	vst.idx.msk $0xffff, v1  }
0x5f: {  	v2 =	vld [tilespmem:s4+$0x30];
	_ =	sdelay $0x4  }
0x60: {  	v3 =	vshll.u32 v2, $0x2  }
0x61: {  	v2 =	vand.u32 $0x1F, v2;
	v3 =	vand.u32 $0xFFFFFF80, v3  }
0x62: {  	v2 =	vor.u32 v2, v3;
	_ =	sdelay $0x4  }
0x63: {  	[tilespmem:v2+s10+$0x0] =	vst.idx.msk $0xffff, v1  }
0x64: {  	v2 =	vld [tilespmem:s4+$0x40];
	_ =	sdelay $0x4  }
0x65: {  	v3 =	vshll.u32 v2, $0x2  }
0x66: {  	v2 =	vand.u32 $0x1F, v2;
	v3 =	vand.u32 $0xFFFFFF80, v3  }
0x67: {  	v2 =	vor.u32 v2, v3;
	_ =	sdelay $0x4  }
0x68: {  	[tilespmem:v2+s10+$0x0] =	vst.idx.msk $0xffff, v1  }
0x69: {  	v2 =	vld [tilespmem:s4+$0x50];
	_ =	sdelay $0x4  }
0x6a: {  	v3 =	vshll.u32 v2, $0x2  }
0x6b: {  	v2 =	vand.u32 $0x1F, v2;
	v3 =	vand.u32 $0xFFFFFF80, v3  }
0x6c: {  	v2 =	vor.u32 v2, v3;
	_ =	sdelay $0x4  }
0x6d: {  	[tilespmem:v2+s10+$0x0] =	vst.idx.msk $0xffff, v1  }
0x6e: {  	v2 =	vld [tilespmem:s4+$0x60];
	_ =	sdelay $0x4  }
0x6f: {  	v3 =	vshll.u32 v2, $0x2  }
0x70: {  	v2 =	vand.u32 $0x1F, v2;
	v3 =	vand.u32 $0xFFFFFF80, v3  }
0x71: {  	v2 =	vor.u32 v2, v3;
	_ =	sdelay $0x4  }
0x72: {  	[tilespmem:v2+s10+$0x0] =	vst.idx.msk $0xffff, v1  }
0x73: {  	v2 =	vld [tilespmem:s4+$0x70];
	_ =	sdelay $0x4  }
0x74: {  	v3 =	vshll.u32 v2, $0x2  }
0x75: {  	v2 =	vand.u32 $0x1F, v2;
	v3 =	vand.u32 $0xFFFFFF80, v3  }
0x76: {  	v2 =	vor.u32 v2, v3;
	_ =	sdelay $0x4  }
0x77: {  	[tilespmem:v2+s10+$0x0] =	vst.idx.msk $0xffff, v1  }
0x78: {  	v2 =	vld [tilespmem:s4+$0x400];
	_ =	sdelay $0x4  }
0x79: {  	v3 =	vshll.u32 v2, $0x2  }
0x7a: {  	v2 =	vand.u32 $0x1F, v2;
	v3 =	vand.u32 $0xFFFFFF80, v3  }
0x7b: {  	v2 =	vor.u32 v2, v3;
	_ =	sdelay $0x4  }
0x7c: {  	[tilespmem:v2+s10+$0x0] =	vst.idx.msk $0xffff, v1  }
0x7d: {  	v2 =	vld [tilespmem:s4+$0x410];
	_ =	sdelay $0x4  }
0x7e: {  	v3 =	vshll.u32 v2, $0x2  }
0x7f: {  	v2 =	vand.u32 $0x1F, v2;
	v3 =	vand.u32 $0xFFFFFF80, v3  }
0x80: {  	v2 =	vor.u32 v2, v3;
	_ =	sdelay $0x4  }
0x81: {  	[tilespmem:v2+s10+$0x0] =	vst.idx.msk $0xffff, v1  }
0x82: {  	v2 =	vld [tilespmem:s4+$0x420];
	_ =	sdelay $0x4  }
0x83: {  	v3 =	vshll.u32 v2, $0x2  }
0x84: {  	v2 =	vand.u32 $0x1F, v2;
	v3 =	vand.u32 $0xFFFFFF80, v3  }
0x85: {  	v2 =	vor.u32 v2, v3;
	_ =	sdelay $0x4  }
0x86: {  	[tilespmem:v2+s10+$0x0] =	vst.idx.msk $0xffff, v1  }
0x87: {  	v2 =	vld [tilespmem:s4+$0x430];
	_ =	sdelay $0x4  }
0x88: {  	v3 =	vshll.u32 v2, $0x2  }
0x89: {  	v2 =	vand.u32 $0x1F, v2;
	v3 =	vand.u32 $0xFFFFFF80, v3  }
0x8a: {  	v2 =	vor.u32 v2, v3;
	_ =	sdelay $0x4  }
0x8b: {  	[tilespmem:v2+s10+$0x0] =	vst.idx.msk $0xffff, v1  }
0x8c: {  	v2 =	vld [tilespmem:s4+$0x440];
	_ =	sdelay $0x4  }
0x8d: {  	v3 =	vshll.u32 v2, $0x2  }
0x8e: {  	v2 =	vand.u32 $0x1F, v2;
	v3 =	vand.u32 $0xFFFFFF80, v3  }
0x8f: {  	v2 =	vor.u32 v2, v3;
	_ =	sdelay $0x4  }
0x90: {  	[tilespmem:v2+s10+$0x0] =	vst.idx.msk $0xffff, v1  }
0x91: {  	v2 =	vld [tilespmem:s4+$0x450];
	_ =	sdelay $0x4  }
0x92: {  	v3 =	vshll.u32 v2, $0x2  }
0x93: {  	v2 =	vand.u32 $0x1F, v2;
	v3 =	vand.u32 $0xFFFFFF80, v3  }
0x94: {  	v2 =	vor.u32 v2, v3;
	_ =	sdelay $0x4  }
0x95: {  	[tilespmem:v2+s10+$0x0] =	vst.idx.msk $0xffff, v1  }
0x96: {  	v2 =	vld [tilespmem:s4+$0x460];
	_ =	sdelay $0x4  }
0x97: {  	v3 =	vshll.u32 v2, $0x2  }
0x98: {  	v2 =	vand.u32 $0x1F, v2;
	v3 =	vand.u32 $0xFFFFFF80, v3  }
0x99: {  	v2 =	vor.u32 v2, v3;
	_ =	sdelay $0x4  }
0x9a: {  	[tilespmem:v2+s10+$0x0] =	vst.idx.msk $0xffff, v1  }
0x9b: {  	v2 =	vld [tilespmem:s4+$0x470];
	_ =	sdelay $0x4  }
0x9c: {  	v3 =	vshll.u32 v2, $0x2  }
0x9d: {  	v2 =	vand.u32 $0x1F, v2;
	v3 =	vand.u32 $0xFFFFFF80, v3  }
0x9e: {  	v2 =	vor.u32 v2, v3;
	_ =	sdelay $0x4  }
0x9f: {  	[tilespmem:v2+s10+$0x0] =	vst.idx.msk $0xffff, v1  }
0xa0: {  	[hbm4b:s5+s2] =	stream.linear.scatter [tilespmem:s10], [sflag:$0x1], $0x1000, $0x38;
	[tilespmem:$0x1800] =	vst v63  }
0xa1: {  	_ =	swait.ge [sflag:s9], $0x1000  }
0xa2: {  	[sflag:s9] =	ssyncset.done $0x0  }
0xa3: {  	[sflag:s9] =	ssyncadd.s32 $0xFFFFF000  }
0xa4: {  	[tilespmem:s2], [sflag:$0x1] =	stream.linear.gather [hbm4b:s3+s2], $0x800, $0x38;
	[tilespmem:$0x1800] =	vst v63  }
0xa5: {  	_ =	swait.ge [sflag:s9], $0x800  }
0xa6: {  	[sflag:s9] =	ssyncset.done $0x0  }
0xa7: {  	[sflag:s9] =	ssyncadd.s32 $0xFFFFF800  }
0xa8: {  	[tilespmem:$0x800] =	vst v0  }
0xa9: {  	[tilespmem:$0x810] =	vst v0  }
0xaa: {  	[tilespmem:$0x880] =	vst v0  }
0xab: {  	[tilespmem:$0x890] =	vst v0  }
0xac: {  	[tilespmem:$0x900] =	vst v0  }
0xad: {  	[tilespmem:$0x910] =	vst v0  }
0xae: {  	[tilespmem:$0x980] =	vst v0  }
0xaf: {  	[tilespmem:$0x990] =	vst v0  }
0xb0: {  	[tilespmem:$0xA00] =	vst v0  }
0xb1: {  	[tilespmem:$0xA10] =	vst v0  }
0xb2: {  	[tilespmem:$0xA80] =	vst v0  }
0xb3: {  	[tilespmem:$0xA90] =	vst v0  }
0xb4: {  	[tilespmem:$0xB00] =	vst v0  }
0xb5: {  	[tilespmem:$0xB10] =	vst v0  }
0xb6: {  	[tilespmem:$0xB80] =	vst v0  }
0xb7: {  	[tilespmem:$0xB90] =	vst v0  }
0xb8: {  	[tilespmem:$0xC00] =	vst v0  }
0xb9: {  	[tilespmem:$0xC10] =	vst v0  }
0xba: {  	[tilespmem:$0xC80] =	vst v0  }
0xbb: {  	[tilespmem:$0xC90] =	vst v0  }
0xbc: {  	[tilespmem:$0xD00] =	vst v0  }
0xbd: {  	[tilespmem:$0xD10] =	vst v0  }
0xbe: {  	[tilespmem:$0xD80] =	vst v0  }
0xbf: {  	[tilespmem:$0xD90] =	vst v0  }
0xc0: {  	[tilespmem:$0xE00] =	vst v0  }
0xc1: {  	[tilespmem:$0xE10] =	vst v0  }
0xc2: {  	[tilespmem:$0xE80] =	vst v0  }
0xc3: {  	[tilespmem:$0xE90] =	vst v0  }
0xc4: {  	[tilespmem:$0xF00] =	vst v0  }
0xc5: {  	[tilespmem:$0xF10] =	vst v0  }
0xc6: {  	[tilespmem:$0xF80] =	vst v0  }
0xc7: {  	[tilespmem:$0xF90] =	vst v0  }
0xc8: {  	[tilespmem:$0x1000] =	vst v0  }
0xc9: {  	[tilespmem:$0x1010] =	vst v0  }
0xca: {  	[tilespmem:$0x1080] =	vst v0  }
0xcb: {  	[tilespmem:$0x1090] =	vst v0  }
0xcc: {  	[tilespmem:$0x1100] =	vst v0  }
0xcd: {  	[tilespmem:$0x1110] =	vst v0  }
0xce: {  	[tilespmem:$0x1180] =	vst v0  }
0xcf: {  	[tilespmem:$0x1190] =	vst v0  }
0xd0: {  	[tilespmem:$0x1200] =	vst v0  }
0xd1: {  	[tilespmem:$0x1210] =	vst v0  }
0xd2: {  	[tilespmem:$0x1280] =	vst v0  }
0xd3: {  	[tilespmem:$0x1290] =	vst v0  }
0xd4: {  	[tilespmem:$0x1300] =	vst v0  }
0xd5: {  	[tilespmem:$0x1310] =	vst v0  }
0xd6: {  	[tilespmem:$0x1380] =	vst v0  }
0xd7: {  	[tilespmem:$0x1390] =	vst v0  }
0xd8: {  	[tilespmem:$0x1400] =	vst v0  }
0xd9: {  	[tilespmem:$0x1410] =	vst v0  }
0xda: {  	[tilespmem:$0x1480] =	vst v0  }
0xdb: {  	[tilespmem:$0x1490] =	vst v0  }
0xdc: {  	[tilespmem:$0x1500] =	vst v0  }
0xdd: {  	[tilespmem:$0x1510] =	vst v0  }
0xde: {  	[tilespmem:$0x1580] =	vst v0  }
0xdf: {  	[tilespmem:$0x1590] =	vst v0  }
0xe0: {  	[tilespmem:$0x1600] =	vst v0  }
0xe1: {  	[tilespmem:$0x1610] =	vst v0  }
0xe2: {  	[tilespmem:$0x1680] =	vst v0  }
0xe3: {  	[tilespmem:$0x1690] =	vst v0  }
0xe4: {  	[tilespmem:$0x1700] =	vst v0  }
0xe5: {  	[tilespmem:$0x1710] =	vst v0  }
0xe6: {  	[tilespmem:$0x1780] =	vst v0  }
0xe7: {  	[tilespmem:$0x1790] =	vst v0  }
0xe8: {  	v2 =	vld [tilespmem:s6+$0x0];
	_ =	sdelay $0x4  }
0xe9: {  	v3 =	vshll.u32 v2, $0x2  }
0xea: {  	v2 =	vand.u32 $0x1F, v2;
	v3 =	vand.u32 $0xFFFFFF80, v3  }
0xeb: {  	v2 =	vor.u32 v2, v3;
	_ =	sdelay $0x4  }
0xec: {  	[tilespmem:v2+s10+$0x0] =	vst.idx.msk $0xffff, v1  }
0xed: {  	v2 =	vld [tilespmem:s6+$0x10];
	_ =	sdelay $0x4  }
0xee: {  	v3 =	vshll.u32 v2, $0x2  }
0xef: {  	v2 =	vand.u32 $0x1F, v2;
	v3 =	vand.u32 $0xFFFFFF80, v3  }
0xf0: {  	v2 =	vor.u32 v2, v3;
	_ =	sdelay $0x4  }
0xf1: {  	[tilespmem:v2+s10+$0x0] =	vst.idx.msk $0xffff, v1  }
0xf2: {  	v2 =	vld [tilespmem:s6+$0x20];
	_ =	sdelay $0x4  }
0xf3: {  	v3 =	vshll.u32 v2, $0x2  }
0xf4: {  	v2 =	vand.u32 $0x1F, v2;
	v3 =	vand.u32 $0xFFFFFF80, v3  }
0xf5: {  	v2 =	vor.u32 v2, v3;
	_ =	sdelay $0x4  }
0xf6: {  	[tilespmem:v2+s10+$0x0] =	vst.idx.msk $0xffff, v1  }
0xf7: {  	v2 =	vld [tilespmem:s6+$0x30];
	_ =	sdelay $0x4  }
0xf8: {  	v3 =	vshll.u32 v2, $0x2  }
0xf9: {  	v2 =	vand.u32 $0x1F, v2;
	v3 =	vand.u32 $0xFFFFFF80, v3  }
0xfa: {  	v2 =	vor.u32 v2, v3;
	_ =	sdelay $0x4  }
0xfb: {  	[tilespmem:v2+s10+$0x0] =	vst.idx.msk $0xffff, v1  }
0xfc: {  	v2 =	vld [tilespmem:s6+$0x40];
	_ =	sdelay $0x4  }
0xfd: {  	v3 =	vshll.u32 v2, $0x2  }
0xfe: {  	v2 =	vand.u32 $0x1F, v2;
	v3 =	vand.u32 $0xFFFFFF80, v3  }
0xff: {  	v2 =	vor.u32 v2, v3;
	_ =	sdelay $0x4  }
0x100: {  	[tilespmem:v2+s10+$0x0] =	vst.idx.msk $0xffff, v1  }
0x101: {  	v2 =	vld [tilespmem:s6+$0x50];
	_ =	sdelay $0x4  }
0x102: {  	v3 =	vshll.u32 v2, $0x2  }
0x103: {  	v2 =	vand.u32 $0x1F, v2;
	v3 =	vand.u32 $0xFFFFFF80, v3  }
0x104: {  	v2 =	vor.u32 v2, v3;
	_ =	sdelay $0x4  }
0x105: {  	[tilespmem:v2+s10+$0x0] =	vst.idx.msk $0xffff, v1  }
0x106: {  	v2 =	vld [tilespmem:s6+$0x60];
	_ =	sdelay $0x4  }
0x107: {  	v3 =	vshll.u32 v2, $0x2  }
0x108: {  	v2 =	vand.u32 $0x1F, v2;
	v3 =	vand.u32 $0xFFFFFF80, v3  }
0x109: {  	v2 =	vor.u32 v2, v3;
	_ =	sdelay $0x4  }
0x10a: {  	[tilespmem:v2+s10+$0x0] =	vst.idx.msk $0xffff, v1  }
0x10b: {  	v2 =	vld [tilespmem:s6+$0x70];
	_ =	sdelay $0x4  }
0x10c: {  	v3 =	vshll.u32 v2, $0x2  }
0x10d: {  	v2 =	vand.u32 $0x1F, v2;
	v3 =	vand.u32 $0xFFFFFF80, v3  }
0x10e: {  	v2 =	vor.u32 v2, v3;
	_ =	sdelay $0x4  }
0x10f: {  	[tilespmem:v2+s10+$0x0] =	vst.idx.msk $0xffff, v1  }
0x110: {  	v2 =	vld [tilespmem:s6+$0x400];
	_ =	sdelay $0x4  }
0x111: {  	v3 =	vshll.u32 v2, $0x2  }
0x112: {  	v2 =	vand.u32 $0x1F, v2;
	v3 =	vand.u32 $0xFFFFFF80, v3  }
0x113: {  	v2 =	vor.u32 v2, v3;
	_ =	sdelay $0x4  }
0x114: {  	[tilespmem:v2+s10+$0x0] =	vst.idx.msk $0xffff, v1  }
0x115: {  	v2 =	vld [tilespmem:s6+$0x410];
	_ =	sdelay $0x4  }
0x116: {  	v3 =	vshll.u32 v2, $0x2  }
0x117: {  	v2 =	vand.u32 $0x1F, v2;
	v3 =	vand.u32 $0xFFFFFF80, v3  }
0x118: {  	v2 =	vor.u32 v2, v3;
	_ =	sdelay $0x4  }
0x119: {  	[tilespmem:v2+s10+$0x0] =	vst.idx.msk $0xffff, v1  }
0x11a: {  	v2 =	vld [tilespmem:s6+$0x420];
	_ =	sdelay $0x4  }
0x11b: {  	v3 =	vshll.u32 v2, $0x2  }
0x11c: {  	v2 =	vand.u32 $0x1F, v2;
	v3 =	vand.u32 $0xFFFFFF80, v3  }
0x11d: {  	v2 =	vor.u32 v2, v3;
	_ =	sdelay $0x4  }
0x11e: {  	[tilespmem:v2+s10+$0x0] =	vst.idx.msk $0xffff, v1  }
0x11f: {  	v2 =	vld [tilespmem:s6+$0x430];
	_ =	sdelay $0x4  }
0x120: {  	v3 =	vshll.u32 v2, $0x2  }
0x121: {  	v2 =	vand.u32 $0x1F, v2;
	v3 =	vand.u32 $0xFFFFFF80, v3  }
0x122: {  	v2 =	vor.u32 v2, v3;
	_ =	sdelay $0x4  }
0x123: {  	[tilespmem:v2+s10+$0x0] =	vst.idx.msk $0xffff, v1  }
0x124: {  	v2 =	vld [tilespmem:s6+$0x440];
	_ =	sdelay $0x4  }
0x125: {  	v3 =	vshll.u32 v2, $0x2  }
0x126: {  	v2 =	vand.u32 $0x1F, v2;
	v3 =	vand.u32 $0xFFFFFF80, v3  }
0x127: {  	v2 =	vor.u32 v2, v3;
	_ =	sdelay $0x4  }
0x128: {  	[tilespmem:v2+s10+$0x0] =	vst.idx.msk $0xffff, v1  }
0x129: {  	v2 =	vld [tilespmem:s6+$0x450];
	_ =	sdelay $0x4  }
0x12a: {  	v3 =	vshll.u32 v2, $0x2  }
0x12b: {  	v2 =	vand.u32 $0x1F, v2;
	v3 =	vand.u32 $0xFFFFFF80, v3  }
0x12c: {  	v2 =	vor.u32 v2, v3;
	_ =	sdelay $0x4  }
0x12d: {  	[tilespmem:v2+s10+$0x0] =	vst.idx.msk $0xffff, v1  }
0x12e: {  	v2 =	vld [tilespmem:s6+$0x460];
	_ =	sdelay $0x4  }
0x12f: {  	v3 =	vshll.u32 v2, $0x2  }
0x130: {  	v2 =	vand.u32 $0x1F, v2;
	v3 =	vand.u32 $0xFFFFFF80, v3  }
0x131: {  	v2 =	vor.u32 v2, v3;
	_ =	sdelay $0x4  }
0x132: {  	[tilespmem:v2+s10+$0x0] =	vst.idx.msk $0xffff, v1  }
0x133: {  	v2 =	vld [tilespmem:s6+$0x470];
	_ =	sdelay $0x4  }
0x134: {  	v3 =	vshll.u32 v2, $0x2  }
0x135: {  	v2 =	vand.u32 $0x1F, v2;
	v3 =	vand.u32 $0xFFFFFF80, v3  }
0x136: {  	v2 =	vor.u32 v2, v3;
	_ =	sdelay $0x3  }
0x137: {  	p0 =	sne.s32 s8, $0x1  }
.Ltmp0:
0x138: {  	[tilespmem:v2+s10+$0x0] =	vst.idx.msk $0xffff, v1;
	(pc) =	sbr.rel @p0 .LBB2_1-.Ltmp0, $4  }
0x139: {  	[hbm4b:s7+s2] =	stream.linear.scatter [tilespmem:s10], [sflag:$0x1], $0x1000, $0x38;
	[tilespmem:$0x1800] =	vst v63  }
0x13a: {  	_ =	swait.ge [sflag:s9], $0x1000  }
0x13b: {  	[sflag:s9] =	ssyncset.done $0x0  }
0x13c: {  	s8 =	sadd.s32 $0xFFFFFFFF, s8;
	[sflag:s9] =	ssyncadd.s32 $0xFFFFF000  }
0x13d: {  	_ =	sfence.sel $0x180000  }
0x13e: {  	[bflag:$0x0] =	sbarrier.arrive $0xFFFF  }
0x13f: {  	p0 =	sne.s32 s1, $0x0;
	_ =	strace $0x90000047  }
0x140: {  	s0 =	sadd.s32 @!p0 $0x100000, s0;
	[bflag:$0x2] =	sbarrier.arrive $0xFFFF  }
0x141: {  	[sflag:s0] =	ssyncadd.tile.s32 @!p0 $0x1;
	_ =	shalt  }
.Lfunc_end2:
_tile_overlayer_lowered:
.L_overlay_start_2:
0x142: {  	(tag) =	ssettag $0x2  }
0x143: {  	s0 =	rddreg [dreg:$0x0];
	s2 =	stileid.u32  }
0x144: {  	s1 =	rddreg [dreg:$0x1];
	p0 =	sne.s32 s2, $0x0  }
0x145: {  	s3 =	rddreg [dreg:$0x2];
	[bflag:$0x3] =	sbarrier.arrive $0xFFFF;
	s2 =	simm.s32 @!p0 $0x1C01  }
0x146: {  	[timem:s3], [sflag:s2] =	dma.local @!p0 [hbm:s0], s1  }
0x147: {  	s0 =	simm.s32 @!p0 $0x1  }
0x148: {  	_ =	swait.ge @!p0 [sflag:s0], s1  }
0x149: {  	s1 =	ssub.s32 @!p0 $0x0, s1;
	[sflag:s0] =	ssyncset.done @!p0 $0x0  }
0x14a: {  	[sflag:s0] =	ssyncadd.s32 @!p0 s1  }
0x14b: {  	[bflag:$0x3] =	sbarrier.arrive $0xFFFF  }
0x14c: {  	_ =	shalt  }

// kernel: sparse-core-data-format-call.cloned.1.call-start
scs
called_computation_lowered:
.L_overlay_start_0:
0x0: {  	s2 =	sld [smem:$0x3FD9]  }
0x1: {  	s3 =	sld [smem:$0x3FFE];
	_ =	sdelay $0x1  }
0x2: {  	s1 =	srdreg.scid  }
0x3: {  	s0 =	sand.u32 $0x1, s1  }
0x4: {  	s18 =	sshll.u32 s0, $0xA;
	s2 =	sadd.s32 s3, s2  }
0x5: {  	s2 =	sadd.s32 s2, s18  }
0x6: {  	[smem:$0x3FC5] =	sst s2  }
0x7: {  	_ = 	snop  }
0x8: {  	s2 =	sld [smem:$0x3FD0];
	(tm) =	ssettm $0x1  }
0x9: {  	s19 =	sld [smem:$0x3FFB];
	_ =	sdelay $0x3  }
0xa: {  	_ =	strace s19  }
0xb: {  	s3 =	sld [smem:$0x3FFC];
	_ =	sdelay $0x3  }
0xc: {  	_ =	strace s3  }
0xd: {  	s3 =	sld [smem:$0x3FFD];
	_ =	sdelay $0x3  }
0xe: {  	_ =	strace s3  }
0xf: {  	_ =	strace $0x8FFFFFFF  }
0x10: {  	s20 =	sld [smem:$0x3FDB];
	_ =	sdelay $0x1  }
0x11: {  	s4 =	simm.s32 $_scs_section_size  }
0x12: {  	s5 =	simm.s32 $_size__tile_overlayer_lowered;
	s6 =	simm.s32 $_tile_overlayer_lowered  }
0x13: {  	s23 =	simm.s32 $0x1BFF;
	s22 =	sshll.u32 s6, $0x1;
	s3 =	sadd.s32 s4, s20  }
0x14: {  	s7 =	simm.s32 $0x0;
	s21 =	sshll.u32 s5, $0x1;
	s5 =	sadd.s32 s22, s3  }
0x15: {  	[timem:s7], [sflag:s23] =	dma.local [hbm:s5], s21  }
0x16: {  	_ =	swait.ge [sflag:s23], s21  }
0x17: {  	s4 =	ssub.s32 $0x0, s21;
	[sflag:s23] =	ssyncset.done $0x0  }
0x18: {  	[sflag:s23] =	ssyncadd.s32 s4;
	_ =	sdelay $0x1  }
0x19: {  	s24 =	simm.s32 $0x1B8B  }
0x1a: {  	_ =	swait.ge [sflag:s24], $0x1  }
0x1b: {  	[sflag:s24] =	ssyncset.done $0x0  }
0x1c: {  	s26 =	simm.s32 $0x1B8E;
	s25 =	sld [smem:$0x3FFE];
	[sflag:s24] =	ssyncadd.s32 $0xFFFFFFFF  }
0x1d: {  	s27 =	simm.s32 $execute0_lowered;
	[smem:$0x3FD2] =	sst s26  }
0x1e: {  	s5 =	sshll.u32 s27, $0x1;
	_ =	strace $0x80000049;
	[dreg:$0x1] =	wrdreg $0xFFFFFFFF  }
0x1f: {  	s28 =	simm.s32 $_size_execute0_lowered;
	s3 =	sadd.s32 s3, s5;
	[dreg:$0x0] =	wrdreg $0x0  }
0x20: {  	s5 =	sshll.u32 s28, $0x1;
	[dreg:$0x2] =	wrdreg s3  }
0x21: {  	[dreg:$0x3] =	wrdreg s5  }
0x22: {  	[dreg:$0x4] =	wrdreg $0xC0  }
0x23: {  	_ =	task [dreg:s7], $0x5FFFF  }
0x24: {  	[dreg:$0x1] =	wrdreg $0xFFFFFFFF  }
0x25: {  	[dreg:$0x0] =	wrdreg $0x60  }
0x26: {  	[dreg:$0x2] =	wrdreg s25  }
0x27: {  	[dreg:$0x3] =	wrdreg s2  }
0x28: {  	[dreg:$0x4] =	wrdreg $0x9  }
0x29: {  	_ =	task.clear_ibuf [dreg:s7], $0x5FFFF;
	_ =	strace $0x90000049  }
0x2a: {  	s29 =	simm.s32 $0x9;
	_ =	strace $0x8000004B  }
0x2b: {  	_ =	swait.ge [sflag:s29], $0x1  }
0x2c: {  	[sflag:s29] =	ssyncadd.s32 $0xFFFFFFFF  }
0x2d: {  	_ =	strace $0x9000004B  }
0x2e: {  	_ =	sfence  }
0x2f: {  	s30 =	sld [smem:$0x0];
	_ =	sdelay $0x2  }
0x30: {  	s31 =	sshll.u32 s1, $0xD;
	s1 =	sshrl.u32 s1, $0x2  }
0x31: {  	s3 =	sand.u32 $0x4000, s31;
	s1 =	sadd.s32 s1, s30  }
0x32: {  	s0 =	sor.u32 s3, s0;
	s1 =	sshll.u32 s1, $0x11  }
0x33: {  	s0 =	sor.u32 s1, s0  }
0x34: {  	s0 =	sadd.s32 $0x8F2B, s0  }
0x35: {  	[sflag:s0] =	ssyncadd.remote.s32 $0x1  }
0x36: {  	_ =	sfence.sel $0xFFFF  }
0x37: {  	[dreg:$0x0] =	wrdreg $0xFFFFFFFF;
	(pc) =	sbr.abs _section_cstart, $3  }
0x38: {  	[dreg:$0x1] =	wrdreg $0xFFFFFFFF  }
0x39: {  	_ =	task.clear_ibuf [dreg:s7], $0x2FFFF;
	_ =	strace $0x9FFFFFFF  }
0x3a: {  	(tm) =	ssettm $0x7FFFFFFF  }
0x3b: {  	_ =	shalt  }
tec
execute0_lowered:
.L_overlay_start_1:
0x0: {  	(tag) =	ssettag $0x1  }
0x1: {  	s0 =	stileid.u32;
	s4 =	rddreg [dreg:$0x0]  }
0x2: {  	s3 =	rddreg [dreg:$0x1];
	s7 =	srdreg.scid;
	s8 =	simm.s32 $0x2  }
0x3: {  	s18 =	simm.s32 $0x0;
	s9 =	simm.s32 $0x1000;
	s16 =	simm.s32 $0x0  }
0x4: {  	s17 =	simm.s32 $0x0;
	s15 =	simm.s32 $0x0;
	s1 =	sshll.u32 s0, $0x7  }
0x5: {  	s10 =	simm.s32 $0x0;
	s12 =	simm.s32 $0x0;
	s2 =	sand.u32 $0x180, s1  }
0x6: {  	s14 =	simm.s32 $0x0;
	s4 =	sadd.s32 $0x800, s4;
	s5 =	ssub.s32 $0x200, s2  }
0x7: {  	s7 =	sshll.u32 s7, $0x4;
	s1 =	rddreg [dreg:$0x2];
	s6 =	sand.u32 $0x180, s5  }
0x8: {  	s7 =	sand.u32 $0x10, s7;
	p0 =	sne.s32 s6, $0x0;
	s6 =	simm.s32 $0x1  }
.Ltmp0:
0x9: {  	s5 =	sshrl.u32 s5, $0x9;
	s6 =	simm.s32 @!p0 $0x0;
	(pc) =	sbr.rel .LBB1_1-.Ltmp0, $4  }
0xa: {  	_ =	strace $0x8000004A;
	s7 =	sor.u32 s0, s7;
	s6 =	sadd.s32 s6, s5  }
0xb: {  	s7 =	sshrl.u32 s7, $0x2;
	s5 =	simm.s32 $0x1;
	s6 =	smul.u32 $0x60, s6  }
0xc: {  	s13 =	smov.u32 s2;
	s11 =	smov.u32 s7;
	[sflag:s5] =	ssyncpa.u1 $0x0  }
0xd: {  	p0 =	por $0x0, $0x0;
	[sflag:s8] =	ssyncpa.u1 $0x0;
	s8 =	sor.u32 $0x1, s6  }
.LBB1_4:
0xe: {  	v5 =	vld [tilespmem:s20+$0xFFFFFFD0];
	[tilespmem:s22+$0x2040 ss:$0x81] =	vst.msk $0xffff, v2  }
0xf: {  	v58 =	vld [tilespmem:s20+$0xFFFFFFE0];
	[tilespmem:s22+$0x2850 ss:$0x81] =	vst.msk $0xffff, v3  }
0x10: {  	s23 =	sshra.s32 s23, $0x2;
	v59 =	vld [tilespmem:s20+$0xFFFFFFF0];
	[tilespmem:s22+$0x3060 ss:$0x81] =	vst.msk $0xffff, v4  }
0x11: {  	v60 =	vld [tilespmem:s20+$0x0];
	[tilespmem:s22+$0x0 ss:$0x81] =	vst.msk $0xffff, v0;
	s21 =	sadd.s32 s23, s21  }
0x12: {  	s24 =	sshll.u32 s18, $0x9;
	s25 =	sshll.u32 s15, $0x3;
	v61 =	vld [tilespmem:s20+$0x10];
	s26 =	sshll.u32 s18, $0x7;
	[tilespmem:s21+$0x3870 ss:$0x81] =	vst.msk $0xffff, v1  }
0x13: {  	v62 =	vld [tilespmem:s20+$0x20];
	s28 =	sand.u32 $0x78, s15;
	s16 =	smul.u32 $0x18000, s16;
	s17 =	sshll.u32 s17, $0xF;
	[tilespmem:s21+$0x810 ss:$0x81] =	vst.msk $0xffff, v5  }
0x14: {  	v63 =	vld [tilespmem:s20+$0xFFFFFFC0];
	s30 =	sand.u32 $0x7, s15;
	s22 =	sand.u32 $0x3F000, s24;
	s23 =	sand.u32 $0x3FC00, s25;
	[tilespmem:s21+$0x1020 ss:$0x81] =	vst.msk $0xffff, v58  }
0x15: {  	s27 =	sand.u32 $0x200, s26;
	s18 =	sand.u32 $0x180, s26;
	s22 =	sadd.s32 s23, s22;
	[tilespmem:s21+$0x1830 ss:$0x81] =	vst.msk $0xffff, v59  }
0x16: {  	s17 =	sadd.s32 s3, s17;
	s18 =	sor.u32 s28, s18;
	s22 =	sor.u32 s27, s22;
	[tilespmem:s21+$0x2040 ss:$0x81] =	vst.msk $0xffff, v60  }
0x17: {  	s16 =	sadd.s32 s16, s17;
	s18 =	sshrl.u32 s18, $0x3;
	s29 =	sshrl.u32 s22, $0x3;
	[tilespmem:s21+$0x2850 ss:$0x81] =	vst.msk $0xffff, v61  }
0x18: {  	s15 =	sshll.u32 s30, $0x12;
	s16 =	sadd.s32 s18, s16;
	[tilespmem:s21+$0x3060 ss:$0x81] =	vst.msk $0xffff, v62;
	s31 =	sand.u32 $0x7FC0, s29  }
0x19: {  	s15 =	sor.u32 $0x400, s15;
	[tilespmem:s21+$0x0 ss:$0x81] =	vst.msk $0xffff, v63;
	s16 =	sadd.s32 s31, s16  }
0x1a: {  	[hbm4b:s16+s15] =	stream.strided.scatter [tilespmem:s19], [sflag:$0x2], $0x4000, s9, s15, $0x20;
	[tilespmem:$0x10100] =	vst v63  }
.LBB1_5:
0x1b: {  	s19 =	sadd.s32 $0x80, s10  }
0x1c: {  	s15 =	sadd.s32 $0x8, s11;
	s20 =	smov.u32 s11;
	p2 =	sgt.s32 s19, $0x1FF  }
0x1d: {  	s20 =	smov.u32 @p2 s15  }
0x1e: {  	s15 =	simm.s32 $0x1;
	p3 =	sgt.s32 s20, $0x3F  }
0x1f: {  	s15 =	simm.s32 @!p3 $0x0  }
0x20: {  	s21 =	sadd.s32 s15, s12  }
0x21: {  	s22 =	smov.u32 s13;
	s15 =	sadd.s32 $0x200, s13;
	p4 =	sgt.s32 s21, $0x2  }
0x22: {  	p1 =	slt.u32 s14, $0x2;
	s22 =	smov.u32 @p4 s15  }
0x23: {  	s18 =	smov.u32 s10;
	s19 =	simm.s32 @p2 $0x0;
	p2 =	sgt.s32 s22, $0x1FF  }
0x24: {  	s23 =	simm.s32 @!p1 $0x2;
	s22 =	smov.u32 @p2 s2;
	p2 =	sne.s32 s14, s8  }
.Ltmp1:
0x25: {  	s16 =	smov.u32 s11;
	_ =	swait.ge @!p1 [sflag:s23], $0x4000;
	(pc) =	sbr.rel @!p2 .LBB1_6-.Ltmp1, $4  }
0x26: {  	s17 =	smov.u32 s12;
	p0 =	por !p0, !p0;
	[sflag:s23] =	ssyncset.done @!p1 $0x0  }
0x27: {  	s10 =	smov.u32 s19;
	s20 =	smov.u32 @p3 s7;
	[sflag:s23] =	ssyncadd.s32 @!p1 $0xFFFFC000  }
0x28: {  	s11 =	smov.u32 s20;
	s21 =	simm.s32 @p4 $0x0;
	s15 =	smov.u32 s13  }
0x29: {  	s12 =	smov.u32 s21;
	s14 =	sadd.s32 $0x1, s14;
	s13 =	smov.u32 s22  }
.LBB1_1:
0x2a: {  	p1 =	sge.u32 s14, s6;
	s31 =	sadd.s32 $0xFFFFFFFF, s14  }
0x2b: {  	s19 =	sxor.u32 @!p1 $0xFFFFFFFF, s14;
	s20 =	sshll.u32 @!p1 s11, $0x9;
	s21 =	sshll.u32 @!p1 s10, $0x3  }
0x2c: {  	s22 =	sand.u32 @!p1 $0x78, s10;
	s20 =	sand.u32 @!p1 $0x7000, s20;
	s21 =	sand.u32 @!p1 $0x7C00, s21  }
0x2d: {  	s24 =	smul.u32 @!p1 $0x3000, s13;
	s20 =	sadd.s32 @!p1 s20, s21;
	s21 =	sshll.u32 @!p1 s11, $0x7  }
0x2e: {  	s19 =	sshll.u32 @!p1 s19, $0xE;
	s23 =	sand.u32 @!p1 $0x200, s21;
	s21 =	sand.u32 @!p1 $0x180, s21  }
0x2f: {  	s19 =	sand.u32 @!p1 $0x4000, s19;
	s20 =	sor.u32 @!p1 s23, s20;
	s21 =	sor.u32 @!p1 s22, s21  }
0x30: {  	s22 =	sshll.u32 @!p1 s12, $0xC;
	s23 =	sadd.s32 @!p1 s4, s24;
	s20 =	sshrl.u32 @!p1 s20, $0x3  }
0x31: {  	s21 =	sshrl.u32 @!p1 s21, $0x3;
	s22 =	sadd.s32 @!p1 s22, s23;
	s23 =	sand.u32 @!p1 $0x7, s10  }
0x32: {  	s20 =	sand.u32 @!p1 $0xFC0, s20;
	s21 =	sadd.s32 @!p1 s21, s22;
	s22 =	sshll.u32 @!p1 s23, $0x12  }
0x33: {  	s20 =	sadd.s32 @!p1 s20, s21;
	s21 =	sor.u32 @!p1 $0x80, s22;
	s22 =	simm.s32 @!p1 $0x18000  }
0x34: {  	[tilespmem:s19], [sflag:$0x1] =	stream.strided.gather @!p1 [hbm4b:s20+s21], $0x4000, s22, s21, $0x38;
	[tilespmem:$0x10100] =	vst v63  }
0x35: {  	p1 =	sge.u32 s31, s6  }
.Ltmp2:
0x36: {  	_ = 	snop;
	(pc) =	sbr.rel @p1 .LBB1_5-.Ltmp2, $1  }
0x37: {  	_ =	sdelay $0x3  }
0x38: {  	s19 =	simm.s32 $0x1  }
0x39: {  	_ =	swait.ge [sflag:s5], $0x4000;
	s19 =	simm.s32 @!p0 $0x0  }
0x3a: {  	[sflag:s5] =	ssyncset.done $0x0;
	s20 =	sshll.u32 s19, $0xE  }
0x3b: {  	[sflag:s5] =	ssyncadd.s32 $0xFFFFC000;
	s20 =	sor.u32 $0x40, s20  }
0x3c: {  	s19 =	smul.u32 $0x10200, s19;
	v0 =	vld [tilespmem:s20+$0x30]  }
0x3d: {  	v1 =	vld [tilespmem:s20+$0xFFFFFFD0]  }
0x3e: {  	s19 =	sshrl.u32 s19, $0x2;
	v5 =	vld [tilespmem:s20+$0xFFFFFFE0]  }
0x3f: {  	v6 =	vld [tilespmem:s20+$0xFFFFFFF0];
	s21 =	sor.u32 $0x8000, s19  }
0x40: {  	s31 =	sand.u32 $0x1, s14;
	v2 =	vld [tilespmem:s20+$0x0];
	s22 =	sadd.s32 $0x0, s21  }
0x41: {  	v3 =	vld [tilespmem:s20+$0x10];
	s19 =	smul.u32 $0x10200, s31;
	[tilespmem:s22+$0x3870 ss:$0x81] =	vst.msk $0xffff, v0  }
0x42: {  	v4 =	vld [tilespmem:s20+$0x20];
	[tilespmem:s22+$0x810 ss:$0x81] =	vst.msk $0xffff, v1  }
0x43: {  	s19 =	sshrl.u32 s19, $0x2;
	v0 =	vld [tilespmem:s20+$0xFFFFFFC0];
	[tilespmem:s22+$0x1020 ss:$0x81] =	vst.msk $0xffff, v5;
	s20 =	sadd.s32 $0x80, s20  }
0x44: {  	s23 =	simm.s32 $0x4;
	s24 =	simm.s32 $0x8;
	s19 =	sor.u32 $0x8000, s19;
	[tilespmem:s22+$0x1830 ss:$0x81] =	vst.msk $0xffff, v6;
	v1 =	vld [tilespmem:s20+$0x30]  }
.LBB1_3:
0x45: {  	p1 =	sne.s32 s24, $0x1FC;
	v5 =	vld [tilespmem:s20+$0xFFFFFFD0];
	[tilespmem:s22+$0x2040 ss:$0x81] =	vst.msk $0xffff, v2  }
0x46: {  	v6 =	vld [tilespmem:s20+$0xFFFFFFE0];
	[tilespmem:s22+$0x2850 ss:$0x81] =	vst.msk $0xffff, v3  }
0x47: {  	s25 =	sshra.s32 s23, $0x2;
	s23 =	smov.u32 s24;
	v7 =	vld [tilespmem:s20+$0xFFFFFFF0];
	[tilespmem:s22+$0x3060 ss:$0x81] =	vst.msk $0xffff, v4  }
.Ltmp3:
0x48: {  	v2 =	vld [tilespmem:s20+$0x0];
	[tilespmem:s22+$0x0 ss:$0x81] =	vst.msk $0xffff, v0;
	s22 =	sadd.s32 s25, s21;
	(pc) =	sbr.rel @p1 .LBB1_3-.Ltmp3, $4  }
0x49: {  	v3 =	vld [tilespmem:s20+$0x10];
	[tilespmem:s22+$0x3870 ss:$0x81] =	vst.msk $0xffff, v1  }
0x4a: {  	[tilespmem:s22+$0x810 ss:$0x81] =	vst.msk $0xffff, v5;
	v4 =	vld [tilespmem:s20+$0x20]  }
0x4b: {  	v0 =	vld [tilespmem:s20+$0xFFFFFFC0];
	[tilespmem:s22+$0x1020 ss:$0x81] =	vst.msk $0xffff, v6;
	s20 =	sadd.s32 $0x80, s20  }
0x4c: {  	s24 =	sadd.s32 $0x4, s24;
	v1 =	vld [tilespmem:s20+$0x30];
	[tilespmem:s22+$0x1830 ss:$0x81] =	vst.msk $0xffff, v7  }
.Ltmp4:
0x4d: {  	_ = 	snop;
	(pc) =	sbr.rel .LBB1_4-.Ltmp4, $1  }
0x4e: {  	_ =	sdelay $0x3  }
.LBB1_6:
0x4f: {  	_ =	sfence.sel $0x180000  }
0x50: {  	s2 =	simm.s32 $0x1;
	[bflag:$0x0] =	sbarrier.arrive $0xFFFF  }
0x51: {  	s31 =	simm.s32 $0x2;
	[sflag:s2] =	ssyncpa.u1 $0x1  }
0x52: {  	[sflag:s31] =	ssyncpa.u1 $0x1  }
0x53: {  	p0 =	sne.s32 s0, $0x0;
	_ =	strace $0x9000004A  }
0x54: {  	s0 =	sadd.s32 @!p0 $0x100000, s1;
	[bflag:$0x2] =	sbarrier.arrive $0xFFFF  }
0x55: {  	[sflag:s0] =	ssyncadd.tile.s32 @!p0 $0x1;
	_ =	shalt  }
.Lfunc_end1:
_tile_overlayer_lowered:
.L_overlay_start_2:
0x56: {  	(tag) =	ssettag $0x2  }
0x57: {  	s0 =	rddreg [dreg:$0x0];
	s2 =	stileid.u32  }
0x58: {  	s1 =	rddreg [dreg:$0x1];
	p0 =	sne.s32 s2, $0x0  }
0x59: {  	s3 =	rddreg [dreg:$0x2];
	[bflag:$0x3] =	sbarrier.arrive $0xFFFF;
	s2 =	simm.s32 @!p0 $0x1C01  }
0x5a: {  	[timem:s3], [sflag:s2] =	dma.local @!p0 [hbm:s0], s1  }
0x5b: {  	s0 =	simm.s32 @!p0 $0x1  }
0x5c: {  	_ =	swait.ge @!p0 [sflag:s0], s1  }
0x5d: {  	s1 =	ssub.s32 @!p0 $0x0, s1;
	[sflag:s0] =	ssyncset.done @!p0 $0x0  }
0x5e: {  	[sflag:s0] =	ssyncadd.s32 @!p0 s1  }
0x5f: {  	[bflag:$0x3] =	sbarrier.arrive $0xFFFF  }
0x60: {  	_ =	shalt  }

</sc_bundles>
